<compile_context>
chip_gen: v7x
topology: tpu7x:2x2x1
jax: 0.10.2.dev20260603
libtpu: 0.0.44.dev20260713+nightly
codegen_flags: <defaults>
</compile_context>

<pallas_src>
import functools

import jax
import jax.numpy as jnp
from jax import lax
from jax.experimental import pallas as pl
from jax.experimental.pallas import tpu as pltpu
from jax.experimental.pallas import tpu_sc as plsc

E = 128
S0, S1, SO = 4, 3, 4
B = 50000
NC, NS = 2, 16
NW = NC * NS
C = 24
NBUF = 3
G = -(-B // C)
T = NBUF * (-(-G // (NW * NBUF)))

OUT_PATHS = (
    ((0, 0, 1.0), (3, 1, 0.4)),
    ((1, 0, 0.5), (0, 1, 0.2)),
    ((2, 1, -0.3), (1, 2, 1.1)),
    ((3, 2, 0.7), (2, 0, -0.9)),
)

_mesh = plsc.VectorSubcoreMesh(core_axis_name="c", subcore_axis_name="s")


@functools.partial(
    pl.kernel,
    mesh=_mesh,
    out_type=jax.ShapeDtypeStruct((B, SO * E), jnp.float32),
    scratch_types=[
        pltpu.VMEM((NBUF, C, S0 * E), jnp.float32),
        pltpu.VMEM((NBUF, C, S1 * E), jnp.float32),
        pltpu.VMEM((NBUF, C, SO * E), jnp.float32),
        pltpu.SemaphoreType.DMA((NBUF,)),
        pltpu.SemaphoreType.DMA((NBUF,)),
        pltpu.SemaphoreType.DMA((NBUF,)),
    ],
)
def _sc_poly(in0_hbm, in1_hbm, out_hbm, x0_v, x1_v, o_v, s0, s1, so):
    wid = lax.axis_index("s") * NC + lax.axis_index("c")

    def g_of(t):
        return wid + t * NW

    def issue_in(t, b):
        @pl.when(g_of(t) < G)
        def _():
            st = jnp.minimum(g_of(t) * C, B - C)
            pltpu.make_async_copy(
                in0_hbm.at[pl.ds(st, C)], x0_v.at[b], s0.at[b]).start()
            pltpu.make_async_copy(
                in1_hbm.at[pl.ds(st, C)], x1_v.at[b], s1.at[b]).start()

    def wait_in(t, b):
        @pl.when(g_of(t) < G)
        def _():
            pltpu.make_async_copy(
                in0_hbm.at[pl.ds(0, C)], x0_v.at[b], s0.at[b]).wait()
            pltpu.make_async_copy(
                in1_hbm.at[pl.ds(0, C)], x1_v.at[b], s1.at[b]).wait()

    def issue_out(t, b):
        @pl.when(g_of(t) < G)
        def _():
            st = jnp.minimum(g_of(t) * C, B - C)
            pltpu.make_async_copy(
                o_v.at[b], out_hbm.at[pl.ds(st, C)], so.at[b]).start()

    def wait_out(t, b):
        @pl.when((t >= 0) & (g_of(t) < G))
        def _():
            pltpu.make_async_copy(
                o_v.at[b], out_hbm.at[pl.ds(0, C)], so.at[b]).wait()

    def compute(t, b):
        @pl.when(g_of(t) < G)
        def _():
            @plsc.parallel_loop(0, C * (E // 16), unroll=2)
            def rw_body(rv):
                r = rv // (E // 16)
                o = (rv % (E // 16)) * 16
                a = [x0_v[b, r, pl.ds(i * E + o, 16)] for i in range(S0)]
                c = [x1_v[b, r, pl.ds(j * E + o, 16)] for j in range(S1)]
                for k, ((i1, j1, c1), (i2, j2, c2)) in enumerate(OUT_PATHS):
                    acc = jnp.float32(c1) * (a[i1] * c[j1]) \
                        + jnp.float32(c2) * (a[i2] * c[j2])
                    o_v[b, r, pl.ds(k * E + o, 16)] = acc

    for b in range(NBUF):
        issue_in(b, b)

    def pipe_body(tt, carry):
        for b in range(NBUF):
            t = NBUF * tt + b
            wait_in(t, b)
            wait_out(t - NBUF, b)
            compute(t, b)
            issue_out(t, b)
            issue_in(t + NBUF, b)
        return carry

    lax.fori_loop(0, T // NBUF, pipe_body, 0)
    for b in range(NBUF):
        wait_out(T - NBUF + b, b)


def kernel(in0, in1):
    return _sc_poly(in0, in1)

# --- scband reference (transcript-rebuilt; emitter-appended) ---
"""Pipeline reference for scband-fast-segmented-polynomial-from-uniform1d-jit-9062380994708 (READ-ONLY COPY).

The authoritative reference and input builder live on the scoring server;
editing this copy changes nothing except your own understanding.
"""

import jax, jax.numpy as jnp
import numpy as np

E = 128                      # operand_extent (uniform segment extent)
NSEG = (4, 3, 4)             # buffer_num_segments for (in0, in1, out0)
B = 50000                    # batch size
# paths: (seg_in0, seg_in1, seg_out, coefficient) -- scalar coefficients,
# elementwise product along the uniform 1d extent (tensor_product_uniform_1d semantics)
PATHS = [
    (0, 0, 0, 1.0),
    (1, 0, 1, 0.5),
    (2, 1, 2, -0.3),
    (3, 2, 3, 0.7),
    (0, 1, 1, 0.2),
    (1, 2, 2, 1.1),
    (2, 0, 3, -0.9),
    (3, 1, 0, 0.4),
]


def setup_inputs(seed: int = 0) -> dict:
    key = jax.random.key(seed)
    k0, k1 = jax.random.split(key)
    in0 = jax.random.normal(k0, (B, NSEG[0] * E), dtype=jnp.float32)
    in1 = jax.random.normal(k1, (B, NSEG[1] * E), dtype=jnp.float32)
    return {"in0": in0, "in1": in1}


def reference(in0, in1):
    # Faithful translation of Uniform1dJit forward for a single operation
    # op = [0, 1, 2] (input buffers 0,1 -> output buffer 2).
    # Each operand is reshaped (batch, num_segments, extent); every path does a
    # scalar-weighted elementwise product of one segment from each input and
    # scatter-adds (segment reduce) into one output segment.
    b = in0.shape[0]
    x0 = in0.reshape(b, NSEG[0], E)
    x1 = in1.reshape(b, NSEG[1], E)
    out = jnp.zeros((b, NSEG[2], E), dtype=jnp.float32)
    for (i, j, k, c) in PATHS:
        out = out.at[:, k, :].add(jnp.float32(c) * x0[:, i, :] * x1[:, j, :])
    return out.reshape(b, NSEG[2] * E)

if __name__ == "__main__":
    import jax
    _d = setup_inputs()
    print(jax.jit(kernel)(*tuple(_d.values())))

</pallas_src>

<mosaic_0001>
#map = affine_map<(d0, d1) -> (0, 0)>
module attributes {stable_mosaic.version = 14 : i64} {
  func.func @_sc_poly(%arg0: i32, %arg1: i32, %arg2: memref<50000x512xf32, #tpu.memory_space<hbm>>, %arg3: memref<50000x384xf32, #tpu.memory_space<hbm>>, %arg4: memref<50000x512xf32, #tpu.memory_space<hbm>>, %arg5: memref<3x24x512xf32, #tpu.memory_space<vmem>>, %arg6: memref<3x24x384xf32, #tpu.memory_space<vmem>>, %arg7: memref<3x24x512xf32, #tpu.memory_space<vmem>>, %arg8: memref<3x!tpu.dma_semaphore, #tpu.memory_space<semaphore_mem>>, %arg9: memref<3x!tpu.dma_semaphore, #tpu.memory_space<semaphore_mem>>, %arg10: memref<3x!tpu.dma_semaphore, #tpu.memory_space<semaphore_mem>>) attributes {dimension_semantics = [#tpu.dimension_semantics<core_parallel>, #tpu.dimension_semantics<subcore_parallel>], iteration_bounds = array<i64: 2, 16>, scalar_prefetch = 0 : i64, scratch_operands = 6 : i64, tpu.core_type = #tpu.core_type<sc_vector_subcore>, window_params = [{transform_indices = #map}, {transform_indices = #map}, {transform_indices = #map}]} {
    %mul3A = arith.constant 2 : i32
    %mul3A_0 = arith.muli %arg1, %mul3A : i32
    %add3A = arith.addi %mul3A_0, %arg0 : i32
    %add3A_1 = arith.constant 0 : i32
    %add3A_2 = arith.addi %add3A, %add3A_1 : i32
    %lt3A = arith.constant 2084 : i32
    %lt3A_3 = arith.cmpi slt, %add3A_2, %lt3A : i32
    %convert_element_type3A = arith.extui %lt3A_3 : i1 to i32
    %cond3A = arith.constant 0 : i32
    %cond3A_4 = arith.cmpi ne, %convert_element_type3A, %cond3A : i32
    scf.if %cond3A_4 {
      %add3A_50 = arith.constant 0 : i32
      %add3A_51 = arith.addi %add3A, %add3A_50 : i32
      %mul3A_52 = arith.constant 24 : i32
      %mul3A_53 = arith.muli %add3A_51, %mul3A_52 : i32
      %min3A = arith.constant 49976 : i32
      %min3A_54 = arith.minsi %mul3A_53, %min3A : i32
      %dma_start3A = arith.constant 0 : i32
      %dma_start3A_55 = arith.constant 0 : i32
      %dma_start3A_56 = arith.constant 0 : i32
      %dma_start3A_57 = arith.constant 0 : i32
      %dma_start3A_58 = tpu.memref_slice %arg5[%dma_start3A, %dma_start3A_56, %dma_start3A_57] : memref<3x24x512xf32, #tpu.memory_space<vmem>> -> memref<1x24x512xf32, #tpu.memory_space<vmem>>
      %dma_start3A_59 = tpu.memref_squeeze %dma_start3A_58 : memref<1x24x512xf32, #tpu.memory_space<vmem>> -> memref<24x512xf32, #tpu.memory_space<vmem>>
      %dma_start3A_60 = arith.constant 0 : i32
      %dma_start3A_61 = tpu.memref_slice %arg2[%min3A_54, %dma_start3A_60] : memref<50000x512xf32, #tpu.memory_space<hbm>> -> memref<24x512xf32, #tpu.memory_space<hbm>>
      %dma_start3A_62 = tpu.memref_slice %arg8[%dma_start3A_55] : memref<3x!tpu.dma_semaphore, #tpu.memory_space<semaphore_mem>> -> memref<1x!tpu.dma_semaphore, #tpu.memory_space<semaphore_mem>>
      %dma_start3A_63 = tpu.memref_squeeze %dma_start3A_62 : memref<1x!tpu.dma_semaphore, #tpu.memory_space<semaphore_mem>> -> memref<!tpu.dma_semaphore, #tpu.memory_space<semaphore_mem>>
      %dma_start3A_64 = arith.constant 0 : i32
      %dma_start3A_65 = arith.constant 0 : i32
      %dma_start3A_66 = tpu.memref_slice %arg5[%dma_start3A, %dma_start3A_64, %dma_start3A_65] : memref<3x24x512xf32, #tpu.memory_space<vmem>> -> memref<1x24x512xf32, #tpu.memory_space<vmem>>
      %dma_start3A_67 = tpu.memref_squeeze %dma_start3A_66 : memref<1x24x512xf32, #tpu.memory_space<vmem>> -> memref<24x512xf32, #tpu.memory_space<vmem>>
      %dma_start3A_68 = arith.constant 0 : i32
      %dma_start3A_69 = tpu.memref_slice %arg2[%min3A_54, %dma_start3A_68] : memref<50000x512xf32, #tpu.memory_space<hbm>> -> memref<24x512xf32, #tpu.memory_space<hbm>>
      tpu.enqueue_dma source(%dma_start3A_69 : memref<24x512xf32, #tpu.memory_space<hbm>>) target(%dma_start3A_67 : memref<24x512xf32, #tpu.memory_space<vmem>>) target_semaphore(%dma_start3A_63 : memref<!tpu.dma_semaphore, #tpu.memory_space<semaphore_mem>>)
      %dma_start3A_70 = arith.constant 0 : i32
      %dma_start3A_71 = arith.constant 0 : i32
      %dma_start3A_72 = arith.constant 0 : i32
      %dma_start3A_73 = arith.constant 0 : i32
      %dma_start3A_74 = tpu.memref_slice %arg6[%dma_start3A_70, %dma_start3A_72, %dma_start3A_73] : memref<3x24x384xf32, #tpu.memory_space<vmem>> -> memref<1x24x384xf32, #tpu.memory_space<vmem>>
      %dma_start3A_75 = tpu.memref_squeeze %dma_start3A_74 : memref<1x24x384xf32, #tpu.memory_space<vmem>> -> memref<24x384xf32, #tpu.memory_space<vmem>>
      %dma_start3A_76 = arith.constant 0 : i32
      %dma_start3A_77 = tpu.memref_slice %arg3[%min3A_54, %dma_start3A_76] : memref<50000x384xf32, #tpu.memory_space<hbm>> -> memref<24x384xf32, #tpu.memory_space<hbm>>
      %dma_start3A_78 = tpu.memref_slice %arg9[%dma_start3A_71] : memref<3x!tpu.dma_semaphore, #tpu.memory_space<semaphore_mem>> -> memref<1x!tpu.dma_semaphore, #tpu.memory_space<semaphore_mem>>
      %dma_start3A_79 = tpu.memref_squeeze %dma_start3A_78 : memref<1x!tpu.dma_semaphore, #tpu.memory_space<semaphore_mem>> -> memref<!tpu.dma_semaphore, #tpu.memory_space<semaphore_mem>>
      %dma_start3A_80 = arith.constant 0 : i32
      %dma_start3A_81 = arith.constant 0 : i32
      %dma_start3A_82 = tpu.memref_slice %arg6[%dma_start3A_70, %dma_start3A_80, %dma_start3A_81] : memref<3x24x384xf32, #tpu.memory_space<vmem>> -> memref<1x24x384xf32, #tpu.memory_space<vmem>>
      %dma_start3A_83 = tpu.memref_squeeze %dma_start3A_82 : memref<1x24x384xf32, #tpu.memory_space<vmem>> -> memref<24x384xf32, #tpu.memory_space<vmem>>
      %dma_start3A_84 = arith.constant 0 : i32
      %dma_start3A_85 = tpu.memref_slice %arg3[%min3A_54, %dma_start3A_84] : memref<50000x384xf32, #tpu.memory_space<hbm>> -> memref<24x384xf32, #tpu.memory_space<hbm>>
      tpu.enqueue_dma source(%dma_start3A_85 : memref<24x384xf32, #tpu.memory_space<hbm>>) target(%dma_start3A_83 : memref<24x384xf32, #tpu.memory_space<vmem>>) target_semaphore(%dma_start3A_79 : memref<!tpu.dma_semaphore, #tpu.memory_space<semaphore_mem>>)
    } else {
    }
    %add3A_5 = arith.constant 32 : i32
    %add3A_6 = arith.addi %add3A, %add3A_5 : i32
    %lt3A_7 = arith.constant 2084 : i32
    %lt3A_8 = arith.cmpi slt, %add3A_6, %lt3A_7 : i32
    %convert_element_type3A_9 = arith.extui %lt3A_8 : i1 to i32
    %cond3A_10 = arith.constant 0 : i32
    %cond3A_11 = arith.cmpi ne, %convert_element_type3A_9, %cond3A_10 : i32
    scf.if %cond3A_11 {
      %add3A_50 = arith.constant 32 : i32
      %add3A_51 = arith.addi %add3A, %add3A_50 : i32
      %mul3A_52 = arith.constant 24 : i32
      %mul3A_53 = arith.muli %add3A_51, %mul3A_52 : i32
      %min3A = arith.constant 49976 : i32
      %min3A_54 = arith.minsi %mul3A_53, %min3A : i32
      %dma_start3A = arith.constant 1 : i32
      %dma_start3A_55 = arith.constant 1 : i32
      %dma_start3A_56 = arith.constant 0 : i32
      %dma_start3A_57 = arith.constant 0 : i32
      %dma_start3A_58 = tpu.memref_slice %arg5[%dma_start3A, %dma_start3A_56, %dma_start3A_57] : memref<3x24x512xf32, #tpu.memory_space<vmem>> -> memref<1x24x512xf32, #tpu.memory_space<vmem>>
      %dma_start3A_59 = tpu.memref_squeeze %dma_start3A_58 : memref<1x24x512xf32, #tpu.memory_space<vmem>> -> memref<24x512xf32, #tpu.memory_space<vmem>>
      %dma_start3A_60 = arith.constant 0 : i32
      %dma_start3A_61 = tpu.memref_slice %arg2[%min3A_54, %dma_start3A_60] : memref<50000x512xf32, #tpu.memory_space<hbm>> -> memref<24x512xf32, #tpu.memory_space<hbm>>
      %dma_start3A_62 = tpu.memref_slice %arg8[%dma_start3A_55] : memref<3x!tpu.dma_semaphore, #tpu.memory_space<semaphore_mem>> -> memref<1x!tpu.dma_semaphore, #tpu.memory_space<semaphore_mem>>
      %dma_start3A_63 = tpu.memref_squeeze %dma_start3A_62 : memref<1x!tpu.dma_semaphore, #tpu.memory_space<semaphore_mem>> -> memref<!tpu.dma_semaphore, #tpu.memory_space<semaphore_mem>>
      %dma_start3A_64 = arith.constant 0 : i32
      %dma_start3A_65 = arith.constant 0 : i32
      %dma_start3A_66 = tpu.memref_slice %arg5[%dma_start3A, %dma_start3A_64, %dma_start3A_65] : memref<3x24x512xf32, #tpu.memory_space<vmem>> -> memref<1x24x512xf32, #tpu.memory_space<vmem>>
      %dma_start3A_67 = tpu.memref_squeeze %dma_start3A_66 : memref<1x24x512xf32, #tpu.memory_space<vmem>> -> memref<24x512xf32, #tpu.memory_space<vmem>>
      %dma_start3A_68 = arith.constant 0 : i32
      %dma_start3A_69 = tpu.memref_slice %arg2[%min3A_54, %dma_start3A_68] : memref<50000x512xf32, #tpu.memory_space<hbm>> -> memref<24x512xf32, #tpu.memory_space<hbm>>
      tpu.enqueue_dma source(%dma_start3A_69 : memref<24x512xf32, #tpu.memory_space<hbm>>) target(%dma_start3A_67 : memref<24x512xf32, #tpu.memory_space<vmem>>) target_semaphore(%dma_start3A_63 : memref<!tpu.dma_semaphore, #tpu.memory_space<semaphore_mem>>)
      %dma_start3A_70 = arith.constant 1 : i32
      %dma_start3A_71 = arith.constant 1 : i32
      %dma_start3A_72 = arith.constant 0 : i32
      %dma_start3A_73 = arith.constant 0 : i32
      %dma_start3A_74 = tpu.memref_slice %arg6[%dma_start3A_70, %dma_start3A_72, %dma_start3A_73] : memref<3x24x384xf32, #tpu.memory_space<vmem>> -> memref<1x24x384xf32, #tpu.memory_space<vmem>>
      %dma_start3A_75 = tpu.memref_squeeze %dma_start3A_74 : memref<1x24x384xf32, #tpu.memory_space<vmem>> -> memref<24x384xf32, #tpu.memory_space<vmem>>
      %dma_start3A_76 = arith.constant 0 : i32
      %dma_start3A_77 = tpu.memref_slice %arg3[%min3A_54, %dma_start3A_76] : memref<50000x384xf32, #tpu.memory_space<hbm>> -> memref<24x384xf32, #tpu.memory_space<hbm>>
      %dma_start3A_78 = tpu.memref_slice %arg9[%dma_start3A_71] : memref<3x!tpu.dma_semaphore, #tpu.memory_space<semaphore_mem>> -> memref<1x!tpu.dma_semaphore, #tpu.memory_space<semaphore_mem>>
      %dma_start3A_79 = tpu.memref_squeeze %dma_start3A_78 : memref<1x!tpu.dma_semaphore, #tpu.memory_space<semaphore_mem>> -> memref<!tpu.dma_semaphore, #tpu.memory_space<semaphore_mem>>
      %dma_start3A_80 = arith.constant 0 : i32
      %dma_start3A_81 = arith.constant 0 : i32
      %dma_start3A_82 = tpu.memref_slice %arg6[%dma_start3A_70, %dma_start3A_80, %dma_start3A_81] : memref<3x24x384xf32, #tpu.memory_space<vmem>> -> memref<1x24x384xf32, #tpu.memory_space<vmem>>
      %dma_start3A_83 = tpu.memref_squeeze %dma_start3A_82 : memref<1x24x384xf32, #tpu.memory_space<vmem>> -> memref<24x384xf32, #tpu.memory_space<vmem>>
      %dma_start3A_84 = arith.constant 0 : i32
      %dma_start3A_85 = tpu.memref_slice %arg3[%min3A_54, %dma_start3A_84] : memref<50000x384xf32, #tpu.memory_space<hbm>> -> memref<24x384xf32, #tpu.memory_space<hbm>>
      tpu.enqueue_dma source(%dma_start3A_85 : memref<24x384xf32, #tpu.memory_space<hbm>>) target(%dma_start3A_83 : memref<24x384xf32, #tpu.memory_space<vmem>>) target_semaphore(%dma_start3A_79 : memref<!tpu.dma_semaphore, #tpu.memory_space<semaphore_mem>>)
    } else {
    }
    %add3A_12 = arith.constant 64 : i32
    %add3A_13 = arith.addi %add3A, %add3A_12 : i32
    %lt3A_14 = arith.constant 2084 : i32
    %lt3A_15 = arith.cmpi slt, %add3A_13, %lt3A_14 : i32
    %convert_element_type3A_16 = arith.extui %lt3A_15 : i1 to i32
    %cond3A_17 = arith.constant 0 : i32
    %cond3A_18 = arith.cmpi ne, %convert_element_type3A_16, %cond3A_17 : i32
    scf.if %cond3A_18 {
      %add3A_50 = arith.constant 64 : i32
      %add3A_51 = arith.addi %add3A, %add3A_50 : i32
      %mul3A_52 = arith.constant 24 : i32
      %mul3A_53 = arith.muli %add3A_51, %mul3A_52 : i32
      %min3A = arith.constant 49976 : i32
      %min3A_54 = arith.minsi %mul3A_53, %min3A : i32
      %dma_start3A = arith.constant 2 : i32
      %dma_start3A_55 = arith.constant 2 : i32
      %dma_start3A_56 = arith.constant 0 : i32
      %dma_start3A_57 = arith.constant 0 : i32
      %dma_start3A_58 = tpu.memref_slice %arg5[%dma_start3A, %dma_start3A_56, %dma_start3A_57] : memref<3x24x512xf32, #tpu.memory_space<vmem>> -> memref<1x24x512xf32, #tpu.memory_space<vmem>>
      %dma_start3A_59 = tpu.memref_squeeze %dma_start3A_58 : memref<1x24x512xf32, #tpu.memory_space<vmem>> -> memref<24x512xf32, #tpu.memory_space<vmem>>
      %dma_start3A_60 = arith.constant 0 : i32
      %dma_start3A_61 = tpu.memref_slice %arg2[%min3A_54, %dma_start3A_60] : memref<50000x512xf32, #tpu.memory_space<hbm>> -> memref<24x512xf32, #tpu.memory_space<hbm>>
      %dma_start3A_62 = tpu.memref_slice %arg8[%dma_start3A_55] : memref<3x!tpu.dma_semaphore, #tpu.memory_space<semaphore_mem>> -> memref<1x!tpu.dma_semaphore, #tpu.memory_space<semaphore_mem>>
      %dma_start3A_63 = tpu.memref_squeeze %dma_start3A_62 : memref<1x!tpu.dma_semaphore, #tpu.memory_space<semaphore_mem>> -> memref<!tpu.dma_semaphore, #tpu.memory_space<semaphore_mem>>
      %dma_start3A_64 = arith.constant 0 : i32
      %dma_start3A_65 = arith.constant 0 : i32
      %dma_start3A_66 = tpu.memref_slice %arg5[%dma_start3A, %dma_start3A_64, %dma_start3A_65] : memref<3x24x512xf32, #tpu.memory_space<vmem>> -> memref<1x24x512xf32, #tpu.memory_space<vmem>>
      %dma_start3A_67 = tpu.memref_squeeze %dma_start3A_66 : memref<1x24x512xf32, #tpu.memory_space<vmem>> -> memref<24x512xf32, #tpu.memory_space<vmem>>
      %dma_start3A_68 = arith.constant 0 : i32
      %dma_start3A_69 = tpu.memref_slice %arg2[%min3A_54, %dma_start3A_68] : memref<50000x512xf32, #tpu.memory_space<hbm>> -> memref<24x512xf32, #tpu.memory_space<hbm>>
      tpu.enqueue_dma source(%dma_start3A_69 : memref<24x512xf32, #tpu.memory_space<hbm>>) target(%dma_start3A_67 : memref<24x512xf32, #tpu.memory_space<vmem>>) target_semaphore(%dma_start3A_63 : memref<!tpu.dma_semaphore, #tpu.memory_space<semaphore_mem>>)
      %dma_start3A_70 = arith.constant 2 : i32
      %dma_start3A_71 = arith.constant 2 : i32
      %dma_start3A_72 = arith.constant 0 : i32
      %dma_start3A_73 = arith.constant 0 : i32
      %dma_start3A_74 = tpu.memref_slice %arg6[%dma_start3A_70, %dma_start3A_72, %dma_start3A_73] : memref<3x24x384xf32, #tpu.memory_space<vmem>> -> memref<1x24x384xf32, #tpu.memory_space<vmem>>
      %dma_start3A_75 = tpu.memref_squeeze %dma_start3A_74 : memref<1x24x384xf32, #tpu.memory_space<vmem>> -> memref<24x384xf32, #tpu.memory_space<vmem>>
      %dma_start3A_76 = arith.constant 0 : i32
      %dma_start3A_77 = tpu.memref_slice %arg3[%min3A_54, %dma_start3A_76] : memref<50000x384xf32, #tpu.memory_space<hbm>> -> memref<24x384xf32, #tpu.memory_space<hbm>>
      %dma_start3A_78 = tpu.memref_slice %arg9[%dma_start3A_71] : memref<3x!tpu.dma_semaphore, #tpu.memory_space<semaphore_mem>> -> memref<1x!tpu.dma_semaphore, #tpu.memory_space<semaphore_mem>>
      %dma_start3A_79 = tpu.memref_squeeze %dma_start3A_78 : memref<1x!tpu.dma_semaphore, #tpu.memory_space<semaphore_mem>> -> memref<!tpu.dma_semaphore, #tpu.memory_space<semaphore_mem>>
      %dma_start3A_80 = arith.constant 0 : i32
      %dma_start3A_81 = arith.constant 0 : i32
      %dma_start3A_82 = tpu.memref_slice %arg6[%dma_start3A_70, %dma_start3A_80, %dma_start3A_81] : memref<3x24x384xf32, #tpu.memory_space<vmem>> -> memref<1x24x384xf32, #tpu.memory_space<vmem>>
      %dma_start3A_83 = tpu.memref_squeeze %dma_start3A_82 : memref<1x24x384xf32, #tpu.memory_space<vmem>> -> memref<24x384xf32, #tpu.memory_space<vmem>>
      %dma_start3A_84 = arith.constant 0 : i32
      %dma_start3A_85 = tpu.memref_slice %arg3[%min3A_54, %dma_start3A_84] : memref<50000x384xf32, #tpu.memory_space<hbm>> -> memref<24x384xf32, #tpu.memory_space<hbm>>
      tpu.enqueue_dma source(%dma_start3A_85 : memref<24x384xf32, #tpu.memory_space<hbm>>) target(%dma_start3A_83 : memref<24x384xf32, #tpu.memory_space<vmem>>) target_semaphore(%dma_start3A_79 : memref<!tpu.dma_semaphore, #tpu.memory_space<semaphore_mem>>)
    } else {
    }
    %scan3A = arith.constant 0 : i32
    %scan3A_19 = arith.constant 0 : i32
    %scan3A_20 = arith.constant 22 : i32
    %scan3A_21 = arith.addi %scan3A_19, %scan3A_20 : i32
    %scan3A_22 = arith.constant 1 : i32
    scf.for %scan3A_50 = %scan3A_19 to %scan3A_21 step %scan3A_22  : i32 {
      %mul3A_51 = arith.constant 3 : i32
      %mul3A_52 = arith.muli %mul3A_51, %scan3A_50 : i32
      %add3A_53 = arith.constant 0 : i32
      %add3A_54 = arith.addi %mul3A_52, %add3A_53 : i32
      %mul3A_55 = arith.constant 32 : i32
      %mul3A_56 = arith.muli %add3A_54, %mul3A_55 : i32
      %add3A_57 = arith.addi %add3A, %mul3A_56 : i32
      %lt3A_58 = arith.constant 2084 : i32
      %lt3A_59 = arith.cmpi slt, %add3A_57, %lt3A_58 : i32
      %convert_element_type3A_60 = arith.extui %lt3A_59 : i1 to i32
      %cond3A_61 = arith.constant 0 : i32
      %cond3A_62 = arith.cmpi ne, %convert_element_type3A_60, %cond3A_61 : i32
      scf.if %cond3A_62 {
        %dma_wait3A = arith.constant 0 : i32
        %dma_wait3A_202 = arith.constant 0 : i32
        %dma_wait3A_203 = arith.constant 0 : i32
        %dma_wait3A_204 = arith.constant 0 : i32
        %dma_wait3A_205 = tpu.memref_slice %arg5[%dma_wait3A, %dma_wait3A_203, %dma_wait3A_204] : memref<3x24x512xf32, #tpu.memory_space<vmem>> -> memref<1x24x512xf32, #tpu.memory_space<vmem>>
        %dma_wait3A_206 = tpu.memref_squeeze %dma_wait3A_205 : memref<1x24x512xf32, #tpu.memory_space<vmem>> -> memref<24x512xf32, #tpu.memory_space<vmem>>
        %dma_wait3A_207 = arith.constant 0 : i32
        %dma_wait3A_208 = arith.constant 0 : i32
        %dma_wait3A_209 = tpu.memref_slice %arg2[%dma_wait3A_207, %dma_wait3A_208] : memref<50000x512xf32, #tpu.memory_space<hbm>> -> memref<24x512xf32, #tpu.memory_space<hbm>>
        %dma_wait3A_210 = tpu.memref_slice %arg8[%dma_wait3A_202] : memref<3x!tpu.dma_semaphore, #tpu.memory_space<semaphore_mem>> -> memref<1x!tpu.dma_semaphore, #tpu.memory_space<semaphore_mem>>
        %dma_wait3A_211 = tpu.memref_squeeze %dma_wait3A_210 : memref<1x!tpu.dma_semaphore, #tpu.memory_space<semaphore_mem>> -> memref<!tpu.dma_semaphore, #tpu.memory_space<semaphore_mem>>
        %dma_wait3A_212 = arith.constant 0 : i32
        %dma_wait3A_213 = arith.constant 0 : i32
        %dma_wait3A_214 = tpu.memref_slice %arg5[%dma_wait3A, %dma_wait3A_212, %dma_wait3A_213] : memref<3x24x512xf32, #tpu.memory_space<vmem>> -> memref<1x24x512xf32, #tpu.memory_space<vmem>>
        %dma_wait3A_215 = tpu.memref_squeeze %dma_wait3A_214 : memref<1x24x512xf32, #tpu.memory_space<vmem>> -> memref<24x512xf32, #tpu.memory_space<vmem>>
        %dma_wait3A_216 = arith.constant 0 : i32
        %dma_wait3A_217 = arith.constant 0 : i32
        %dma_wait3A_218 = tpu.memref_slice %arg2[%dma_wait3A_216, %dma_wait3A_217] : memref<50000x512xf32, #tpu.memory_space<hbm>> -> memref<24x512xf32, #tpu.memory_space<hbm>>
        tpu.wait_dma2 semaphore(%dma_wait3A_211 : memref<!tpu.dma_semaphore, #tpu.memory_space<semaphore_mem>>) src(%dma_wait3A_218 : memref<24x512xf32, #tpu.memory_space<hbm>>) dst(%dma_wait3A_215 : memref<24x512xf32, #tpu.memory_space<vmem>>)
        %dma_wait3A_219 = arith.constant 0 : i32
        %dma_wait3A_220 = arith.constant 0 : i32
        %dma_wait3A_221 = arith.constant 0 : i32
        %dma_wait3A_222 = arith.constant 0 : i32
        %dma_wait3A_223 = tpu.memref_slice %arg6[%dma_wait3A_219, %dma_wait3A_221, %dma_wait3A_222] : memref<3x24x384xf32, #tpu.memory_space<vmem>> -> memref<1x24x384xf32, #tpu.memory_space<vmem>>
        %dma_wait3A_224 = tpu.memref_squeeze %dma_wait3A_223 : memref<1x24x384xf32, #tpu.memory_space<vmem>> -> memref<24x384xf32, #tpu.memory_space<vmem>>
        %dma_wait3A_225 = arith.constant 0 : i32
        %dma_wait3A_226 = arith.constant 0 : i32
        %dma_wait3A_227 = tpu.memref_slice %arg3[%dma_wait3A_225, %dma_wait3A_226] : memref<50000x384xf32, #tpu.memory_space<hbm>> -> memref<24x384xf32, #tpu.memory_space<hbm>>
        %dma_wait3A_228 = tpu.memref_slice %arg9[%dma_wait3A_220] : memref<3x!tpu.dma_semaphore, #tpu.memory_space<semaphore_mem>> -> memref<1x!tpu.dma_semaphore, #tpu.memory_space<semaphore_mem>>
        %dma_wait3A_229 = tpu.memref_squeeze %dma_wait3A_228 : memref<1x!tpu.dma_semaphore, #tpu.memory_space<semaphore_mem>> -> memref<!tpu.dma_semaphore, #tpu.memory_space<semaphore_mem>>
        %dma_wait3A_230 = arith.constant 0 : i32
        %dma_wait3A_231 = arith.constant 0 : i32
        %dma_wait3A_232 = tpu.memref_slice %arg6[%dma_wait3A_219, %dma_wait3A_230, %dma_wait3A_231] : memref<3x24x384xf32, #tpu.memory_space<vmem>> -> memref<1x24x384xf32, #tpu.memory_space<vmem>>
        %dma_wait3A_233 = tpu.memref_squeeze %dma_wait3A_232 : memref<1x24x384xf32, #tpu.memory_space<vmem>> -> memref<24x384xf32, #tpu.memory_space<vmem>>
        %dma_wait3A_234 = arith.constant 0 : i32
        %dma_wait3A_235 = arith.constant 0 : i32
        %dma_wait3A_236 = tpu.memref_slice %arg3[%dma_wait3A_234, %dma_wait3A_235] : memref<50000x384xf32, #tpu.memory_space<hbm>> -> memref<24x384xf32, #tpu.memory_space<hbm>>
        tpu.wait_dma2 semaphore(%dma_wait3A_229 : memref<!tpu.dma_semaphore, #tpu.memory_space<semaphore_mem>>) src(%dma_wait3A_236 : memref<24x384xf32, #tpu.memory_space<hbm>>) dst(%dma_wait3A_233 : memref<24x384xf32, #tpu.memory_space<vmem>>)
      } else {
      }
      %sub3A = arith.constant 3 : i32
      %sub3A_63 = arith.subi %add3A_54, %sub3A : i32
      %ge3A = arith.constant 0 : i32
      %ge3A_64 = arith.cmpi sge, %sub3A_63, %ge3A : i32
      %mul3A_65 = arith.constant 32 : i32
      %mul3A_66 = arith.muli %sub3A_63, %mul3A_65 : i32
      %add3A_67 = arith.addi %add3A, %mul3A_66 : i32
      %lt3A_68 = arith.constant 2084 : i32
      %lt3A_69 = arith.cmpi slt, %add3A_67, %lt3A_68 : i32
      %and3A_70 = arith.andi %ge3A_64, %lt3A_69 : i1
      %convert_element_type3A_71 = arith.extui %and3A_70 : i1 to i32
      %cond3A_72 = arith.constant 0 : i32
      %cond3A_73 = arith.cmpi ne, %convert_element_type3A_71, %cond3A_72 : i32
      scf.if %cond3A_73 {
        %dma_wait3A = arith.constant 0 : i32
        %dma_wait3A_202 = arith.constant 0 : i32
        %dma_wait3A_203 = arith.constant 0 : i32
        %dma_wait3A_204 = arith.constant 0 : i32
        %dma_wait3A_205 = tpu.memref_slice %arg7[%dma_wait3A, %dma_wait3A_203, %dma_wait3A_204] : memref<3x24x512xf32, #tpu.memory_space<vmem>> -> memref<1x24x512xf32, #tpu.memory_space<vmem>>
        %dma_wait3A_206 = tpu.memref_squeeze %dma_wait3A_205 : memref<1x24x512xf32, #tpu.memory_space<vmem>> -> memref<24x512xf32, #tpu.memory_space<vmem>>
        %dma_wait3A_207 = arith.constant 0 : i32
        %dma_wait3A_208 = arith.constant 0 : i32
        %dma_wait3A_209 = tpu.memref_slice %arg4[%dma_wait3A_207, %dma_wait3A_208] : memref<50000x512xf32, #tpu.memory_space<hbm>> -> memref<24x512xf32, #tpu.memory_space<hbm>>
        %dma_wait3A_210 = tpu.memref_slice %arg10[%dma_wait3A_202] : memref<3x!tpu.dma_semaphore, #tpu.memory_space<semaphore_mem>> -> memref<1x!tpu.dma_semaphore, #tpu.memory_space<semaphore_mem>>
        %dma_wait3A_211 = tpu.memref_squeeze %dma_wait3A_210 : memref<1x!tpu.dma_semaphore, #tpu.memory_space<semaphore_mem>> -> memref<!tpu.dma_semaphore, #tpu.memory_space<semaphore_mem>>
        %dma_wait3A_212 = arith.constant 0 : i32
        %dma_wait3A_213 = arith.constant 0 : i32
        %dma_wait3A_214 = tpu.memref_slice %arg4[%dma_wait3A_212, %dma_wait3A_213] : memref<50000x512xf32, #tpu.memory_space<hbm>> -> memref<24x512xf32, #tpu.memory_space<hbm>>
        %dma_wait3A_215 = arith.constant 0 : i32
        %dma_wait3A_216 = arith.constant 0 : i32
        %dma_wait3A_217 = tpu.memref_slice %arg7[%dma_wait3A, %dma_wait3A_215, %dma_wait3A_216] : memref<3x24x512xf32, #tpu.memory_space<vmem>> -> memref<1x24x512xf32, #tpu.memory_space<vmem>>
        %dma_wait3A_218 = tpu.memref_squeeze %dma_wait3A_217 : memref<1x24x512xf32, #tpu.memory_space<vmem>> -> memref<24x512xf32, #tpu.memory_space<vmem>>
        tpu.wait_dma2 semaphore(%dma_wait3A_211 : memref<!tpu.dma_semaphore, #tpu.memory_space<semaphore_mem>>) src(%dma_wait3A_218 : memref<24x512xf32, #tpu.memory_space<vmem>>) dst(%dma_wait3A_214 : memref<24x512xf32, #tpu.memory_space<hbm>>)
      } else {
      }
      %mul3A_74 = arith.constant 32 : i32
      %mul3A_75 = arith.muli %add3A_54, %mul3A_74 : i32
      %add3A_76 = arith.addi %add3A, %mul3A_75 : i32
      %lt3A_77 = arith.constant 2084 : i32
      %lt3A_78 = arith.cmpi slt, %add3A_76, %lt3A_77 : i32
      %convert_element_type3A_79 = arith.extui %lt3A_78 : i1 to i32
      %cond3A_80 = arith.constant 0 : i32
      %cond3A_81 = arith.cmpi ne, %convert_element_type3A_79, %cond3A_80 : i32
      scf.if %cond3A_81 {
        %parallel_loop3A = arith.constant 0 : i32
        %parallel_loop3A_202 = arith.constant 192 : i32
        %parallel_loop3A_203 = arith.constant 1 : i32
        scf.for %parallel_loop3A_204 = %parallel_loop3A to %parallel_loop3A_202 step %parallel_loop3A_203  : i32 {
          %parallel_loop3A_205 = arith.constant 8 : i32
          %parallel_loop3A_206 = arith.divsi %parallel_loop3A_204, %parallel_loop3A_205 : i32
          %parallel_loop3A_207 = arith.constant 0 : i32
          %parallel_loop3A_208 = arith.cmpi sgt, %parallel_loop3A_204, %parallel_loop3A_207 : i32
          %parallel_loop3A_209 = arith.extui %parallel_loop3A_208 : i1 to i32
          %parallel_loop3A_210 = arith.constant 0 : i32
          %parallel_loop3A_211 = arith.cmpi slt, %parallel_loop3A_204, %parallel_loop3A_210 : i32
          %parallel_loop3A_212 = arith.extui %parallel_loop3A_211 : i1 to i32
          %parallel_loop3A_213 = arith.subi %parallel_loop3A_209, %parallel_loop3A_212 : i32
          %parallel_loop3A_214 = arith.constant 0 : i32
          %parallel_loop3A_215 = arith.cmpi sgt, %parallel_loop3A_205, %parallel_loop3A_214 : i32
          %parallel_loop3A_216 = arith.extui %parallel_loop3A_215 : i1 to i32
          %parallel_loop3A_217 = arith.constant 0 : i32
          %parallel_loop3A_218 = arith.cmpi slt, %parallel_loop3A_205, %parallel_loop3A_217 : i32
          %parallel_loop3A_219 = arith.extui %parallel_loop3A_218 : i1 to i32
          %parallel_loop3A_220 = arith.subi %parallel_loop3A_216, %parallel_loop3A_219 : i32
          %parallel_loop3A_221 = arith.cmpi ne, %parallel_loop3A_213, %parallel_loop3A_220 : i32
          %parallel_loop3A_222 = arith.remsi %parallel_loop3A_204, %parallel_loop3A_205 : i32
          %parallel_loop3A_223 = arith.constant 0 : i32
          %parallel_loop3A_224 = arith.cmpi ne, %parallel_loop3A_222, %parallel_loop3A_223 : i32
          %parallel_loop3A_225 = arith.andi %parallel_loop3A_221, %parallel_loop3A_224 : i1
          %parallel_loop3A_226 = arith.constant 1 : i32
          %parallel_loop3A_227 = arith.subi %parallel_loop3A_206, %parallel_loop3A_226 : i32
          %parallel_loop3A_228 = arith.select %parallel_loop3A_225, %parallel_loop3A_227, %parallel_loop3A_206 : i32
          %parallel_loop3A_229 = arith.constant 8 : i32
          %parallel_loop3A_230 = arith.constant 0 : i32
          %parallel_loop3A_231 = arith.cmpi eq, %parallel_loop3A_229, %parallel_loop3A_230 : i32
          %parallel_loop3A_232 = arith.constant 1 : i32
          %parallel_loop3A_233 = arith.select %parallel_loop3A_231, %parallel_loop3A_232, %parallel_loop3A_229 : i32
          %parallel_loop3A_234 = arith.remsi %parallel_loop3A_204, %parallel_loop3A_233 : i32
          %parallel_loop3A_235 = arith.constant 0 : i32
          %parallel_loop3A_236 = arith.cmpi ne, %parallel_loop3A_234, %parallel_loop3A_235 : i32
          %parallel_loop3A_237 = arith.constant 0 : i32
          %parallel_loop3A_238 = arith.cmpi slt, %parallel_loop3A_234, %parallel_loop3A_237 : i32
          %parallel_loop3A_239 = arith.constant 0 : i32
          %parallel_loop3A_240 = arith.cmpi slt, %parallel_loop3A_233, %parallel_loop3A_239 : i32
          %parallel_loop3A_241 = arith.xori %parallel_loop3A_238, %parallel_loop3A_240 : i1
          %parallel_loop3A_242 = arith.andi %parallel_loop3A_241, %parallel_loop3A_236 : i1
          %parallel_loop3A_243 = arith.addi %parallel_loop3A_234, %parallel_loop3A_233 : i32
          %parallel_loop3A_244 = arith.select %parallel_loop3A_242, %parallel_loop3A_243, %parallel_loop3A_234 : i32
          %parallel_loop3A_245 = arith.constant 16 : i32
          %parallel_loop3A_246 = arith.muli %parallel_loop3A_244, %parallel_loop3A_245 : i32
          %parallel_loop3A_247 = arith.constant 0 : i32
          %parallel_loop3A_248 = arith.addi %parallel_loop3A_247, %parallel_loop3A_246 : i32
          %parallel_loop3A_249 = arith.constant 0 : i32
          %parallel_loop3A_250 = arith.index_cast %parallel_loop3A_249 : i32 to index
          %parallel_loop3A_251 = arith.index_cast %parallel_loop3A_228 : i32 to index
          %parallel_loop3A_252 = arith.index_cast %parallel_loop3A_248 : i32 to index
          %parallel_loop3A_253 = tpu.vector_load %arg5[%parallel_loop3A_250, %parallel_loop3A_251, %parallel_loop3A_252] {strides = array<i32>} : memref<3x24x512xf32, #tpu.memory_space<vmem>>, vector<1x1x16xf32>,
          %parallel_loop3A_254 = vector.shape_cast %parallel_loop3A_253 : vector<1x1x16xf32> to vector<16xf32>
          %parallel_loop3A_255 = arith.constant 128 : i32
          %parallel_loop3A_256 = arith.addi %parallel_loop3A_255, %parallel_loop3A_246 : i32
          %parallel_loop3A_257 = arith.constant 0 : i32
          %parallel_loop3A_258 = arith.index_cast %parallel_loop3A_257 : i32 to index
          %parallel_loop3A_259 = arith.index_cast %parallel_loop3A_228 : i32 to index
          %parallel_loop3A_260 = arith.index_cast %parallel_loop3A_256 : i32 to index
          %parallel_loop3A_261 = tpu.vector_load %arg5[%parallel_loop3A_258, %parallel_loop3A_259, %parallel_loop3A_260] {strides = array<i32>} : memref<3x24x512xf32, #tpu.memory_space<vmem>>, vector<1x1x16xf32>,
          %parallel_loop3A_262 = vector.shape_cast %parallel_loop3A_261 : vector<1x1x16xf32> to vector<16xf32>
          %parallel_loop3A_263 = arith.constant 256 : i32
          %parallel_loop3A_264 = arith.addi %parallel_loop3A_263, %parallel_loop3A_246 : i32
          %parallel_loop3A_265 = arith.constant 0 : i32
          %parallel_loop3A_266 = arith.index_cast %parallel_loop3A_265 : i32 to index
          %parallel_loop3A_267 = arith.index_cast %parallel_loop3A_228 : i32 to index
          %parallel_loop3A_268 = arith.index_cast %parallel_loop3A_264 : i32 to index
          %parallel_loop3A_269 = tpu.vector_load %arg5[%parallel_loop3A_266, %parallel_loop3A_267, %parallel_loop3A_268] {strides = array<i32>} : memref<3x24x512xf32, #tpu.memory_space<vmem>>, vector<1x1x16xf32>,
          %parallel_loop3A_270 = vector.shape_cast %parallel_loop3A_269 : vector<1x1x16xf32> to vector<16xf32>
          %parallel_loop3A_271 = arith.constant 384 : i32
          %parallel_loop3A_272 = arith.addi %parallel_loop3A_271, %parallel_loop3A_246 : i32
          %parallel_loop3A_273 = arith.constant 0 : i32
          %parallel_loop3A_274 = arith.index_cast %parallel_loop3A_273 : i32 to index
          %parallel_loop3A_275 = arith.index_cast %parallel_loop3A_228 : i32 to index
          %parallel_loop3A_276 = arith.index_cast %parallel_loop3A_272 : i32 to index
          %parallel_loop3A_277 = tpu.vector_load %arg5[%parallel_loop3A_274, %parallel_loop3A_275, %parallel_loop3A_276] {strides = array<i32>} : memref<3x24x512xf32, #tpu.memory_space<vmem>>, vector<1x1x16xf32>,
          %parallel_loop3A_278 = vector.shape_cast %parallel_loop3A_277 : vector<1x1x16xf32> to vector<16xf32>
          %parallel_loop3A_279 = arith.constant 0 : i32
          %parallel_loop3A_280 = arith.addi %parallel_loop3A_279, %parallel_loop3A_246 : i32
          %parallel_loop3A_281 = arith.constant 0 : i32
          %parallel_loop3A_282 = arith.index_cast %parallel_loop3A_281 : i32 to index
          %parallel_loop3A_283 = arith.index_cast %parallel_loop3A_228 : i32 to index
          %parallel_loop3A_284 = arith.index_cast %parallel_loop3A_280 : i32 to index
          %parallel_loop3A_285 = tpu.vector_load %arg6[%parallel_loop3A_282, %parallel_loop3A_283, %parallel_loop3A_284] {strides = array<i32>} : memref<3x24x384xf32, #tpu.memory_space<vmem>>, vector<1x1x16xf32>,
          %parallel_loop3A_286 = vector.shape_cast %parallel_loop3A_285 : vector<1x1x16xf32> to vector<16xf32>
          %parallel_loop3A_287 = arith.constant 128 : i32
          %parallel_loop3A_288 = arith.addi %parallel_loop3A_287, %parallel_loop3A_246 : i32
          %parallel_loop3A_289 = arith.constant 0 : i32
          %parallel_loop3A_290 = arith.index_cast %parallel_loop3A_289 : i32 to index
          %parallel_loop3A_291 = arith.index_cast %parallel_loop3A_228 : i32 to index
          %parallel_loop3A_292 = arith.index_cast %parallel_loop3A_288 : i32 to index
          %parallel_loop3A_293 = tpu.vector_load %arg6[%parallel_loop3A_290, %parallel_loop3A_291, %parallel_loop3A_292] {strides = array<i32>} : memref<3x24x384xf32, #tpu.memory_space<vmem>>, vector<1x1x16xf32>,
          %parallel_loop3A_294 = vector.shape_cast %parallel_loop3A_293 : vector<1x1x16xf32> to vector<16xf32>
          %parallel_loop3A_295 = arith.constant 256 : i32
          %parallel_loop3A_296 = arith.addi %parallel_loop3A_295, %parallel_loop3A_246 : i32
          %parallel_loop3A_297 = arith.constant 0 : i32
          %parallel_loop3A_298 = arith.index_cast %parallel_loop3A_297 : i32 to index
          %parallel_loop3A_299 = arith.index_cast %parallel_loop3A_228 : i32 to index
          %parallel_loop3A_300 = arith.index_cast %parallel_loop3A_296 : i32 to index
          %parallel_loop3A_301 = tpu.vector_load %arg6[%parallel_loop3A_298, %parallel_loop3A_299, %parallel_loop3A_300] {strides = array<i32>} : memref<3x24x384xf32, #tpu.memory_space<vmem>>, vector<1x1x16xf32>,
          %parallel_loop3A_302 = vector.shape_cast %parallel_loop3A_301 : vector<1x1x16xf32> to vector<16xf32>
          %parallel_loop3A_303 = arith.mulf %parallel_loop3A_254, %parallel_loop3A_286 : vector<16xf32>
          %parallel_loop3A_304 = arith.constant 1.000000e+00 : f32
          %parallel_loop3A_305 = vector.broadcast %parallel_loop3A_304 : f32 to vector<16xf32>
          %parallel_loop3A_306 = arith.mulf %parallel_loop3A_305, %parallel_loop3A_303 : vector<16xf32>
          %parallel_loop3A_307 = arith.mulf %parallel_loop3A_278, %parallel_loop3A_294 : vector<16xf32>
          %parallel_loop3A_308 = arith.constant 4.000000e-01 : f32
          %parallel_loop3A_309 = vector.broadcast %parallel_loop3A_308 : f32 to vector<16xf32>
          %parallel_loop3A_310 = arith.mulf %parallel_loop3A_309, %parallel_loop3A_307 : vector<16xf32>
          %parallel_loop3A_311 = arith.addf %parallel_loop3A_306, %parallel_loop3A_310 : vector<16xf32>
          %parallel_loop3A_312 = arith.constant 0 : i32
          %parallel_loop3A_313 = arith.addi %parallel_loop3A_312, %parallel_loop3A_246 : i32
          %parallel_loop3A_314 = arith.constant 0 : i32
          %parallel_loop3A_315 = arith.index_cast %parallel_loop3A_314 : i32 to index
          %parallel_loop3A_316 = arith.index_cast %parallel_loop3A_228 : i32 to index
          %parallel_loop3A_317 = arith.index_cast %parallel_loop3A_313 : i32 to index
          %parallel_loop3A_318 = tpu.vector_load %arg7[%parallel_loop3A_315, %parallel_loop3A_316, %parallel_loop3A_317] {strides = array<i32>} : memref<3x24x512xf32, #tpu.memory_space<vmem>>, vector<1x1x16xf32>,
          %parallel_loop3A_319 = vector.shape_cast %parallel_loop3A_318 : vector<1x1x16xf32> to vector<16xf32>
          %parallel_loop3A_320 = vector.shape_cast %parallel_loop3A_311 : vector<16xf32> to vector<1x1x16xf32>
          tpu.vector_store %arg7[%parallel_loop3A_315, %parallel_loop3A_316, %parallel_loop3A_317], %parallel_loop3A_320 {strides = array<i32>} : memref<3x24x512xf32, #tpu.memory_space<vmem>>, vector<1x1x16xf32>,
          %parallel_loop3A_321 = arith.mulf %parallel_loop3A_262, %parallel_loop3A_286 : vector<16xf32>
          %parallel_loop3A_322 = arith.constant 5.000000e-01 : f32
          %parallel_loop3A_323 = vector.broadcast %parallel_loop3A_322 : f32 to vector<16xf32>
          %parallel_loop3A_324 = arith.mulf %parallel_loop3A_323, %parallel_loop3A_321 : vector<16xf32>
          %parallel_loop3A_325 = arith.mulf %parallel_loop3A_254, %parallel_loop3A_294 : vector<16xf32>
          %parallel_loop3A_326 = arith.constant 2.000000e-01 : f32
          %parallel_loop3A_327 = vector.broadcast %parallel_loop3A_326 : f32 to vector<16xf32>
          %parallel_loop3A_328 = arith.mulf %parallel_loop3A_327, %parallel_loop3A_325 : vector<16xf32>
          %parallel_loop3A_329 = arith.addf %parallel_loop3A_324, %parallel_loop3A_328 : vector<16xf32>
          %parallel_loop3A_330 = arith.constant 128 : i32
          %parallel_loop3A_331 = arith.addi %parallel_loop3A_330, %parallel_loop3A_246 : i32
          %parallel_loop3A_332 = arith.constant 0 : i32
          %parallel_loop3A_333 = arith.index_cast %parallel_loop3A_332 : i32 to index
          %parallel_loop3A_334 = arith.index_cast %parallel_loop3A_228 : i32 to index
          %parallel_loop3A_335 = arith.index_cast %parallel_loop3A_331 : i32 to index
          %parallel_loop3A_336 = tpu.vector_load %arg7[%parallel_loop3A_333, %parallel_loop3A_334, %parallel_loop3A_335] {strides = array<i32>} : memref<3x24x512xf32, #tpu.memory_space<vmem>>, vector<1x1x16xf32>,
          %parallel_loop3A_337 = vector.shape_cast %parallel_loop3A_336 : vector<1x1x16xf32> to vector<16xf32>
          %parallel_loop3A_338 = vector.shape_cast %parallel_loop3A_329 : vector<16xf32> to vector<1x1x16xf32>
          tpu.vector_store %arg7[%parallel_loop3A_333, %parallel_loop3A_334, %parallel_loop3A_335], %parallel_loop3A_338 {strides = array<i32>} : memref<3x24x512xf32, #tpu.memory_space<vmem>>, vector<1x1x16xf32>,
          %parallel_loop3A_339 = arith.mulf %parallel_loop3A_270, %parallel_loop3A_294 : vector<16xf32>
          %parallel_loop3A_340 = arith.constant -3.000000e-01 : f32
          %parallel_loop3A_341 = vector.broadcast %parallel_loop3A_340 : f32 to vector<16xf32>
          %parallel_loop3A_342 = arith.mulf %parallel_loop3A_341, %parallel_loop3A_339 : vector<16xf32>
          %parallel_loop3A_343 = arith.mulf %parallel_loop3A_262, %parallel_loop3A_302 : vector<16xf32>
          %parallel_loop3A_344 = arith.constant 1.100000e+00 : f32
          %parallel_loop3A_345 = vector.broadcast %parallel_loop3A_344 : f32 to vector<16xf32>
          %parallel_loop3A_346 = arith.mulf %parallel_loop3A_345, %parallel_loop3A_343 : vector<16xf32>
          %parallel_loop3A_347 = arith.addf %parallel_loop3A_342, %parallel_loop3A_346 : vector<16xf32>
          %parallel_loop3A_348 = arith.constant 256 : i32
          %parallel_loop3A_349 = arith.addi %parallel_loop3A_348, %parallel_loop3A_246 : i32
          %parallel_loop3A_350 = arith.constant 0 : i32
          %parallel_loop3A_351 = arith.index_cast %parallel_loop3A_350 : i32 to index
          %parallel_loop3A_352 = arith.index_cast %parallel_loop3A_228 : i32 to index
          %parallel_loop3A_353 = arith.index_cast %parallel_loop3A_349 : i32 to index
          %parallel_loop3A_354 = tpu.vector_load %arg7[%parallel_loop3A_351, %parallel_loop3A_352, %parallel_loop3A_353] {strides = array<i32>} : memref<3x24x512xf32, #tpu.memory_space<vmem>>, vector<1x1x16xf32>,
          %parallel_loop3A_355 = vector.shape_cast %parallel_loop3A_354 : vector<1x1x16xf32> to vector<16xf32>
          %parallel_loop3A_356 = vector.shape_cast %parallel_loop3A_347 : vector<16xf32> to vector<1x1x16xf32>
          tpu.vector_store %arg7[%parallel_loop3A_351, %parallel_loop3A_352, %parallel_loop3A_353], %parallel_loop3A_356 {strides = array<i32>} : memref<3x24x512xf32, #tpu.memory_space<vmem>>, vector<1x1x16xf32>,
          %parallel_loop3A_357 = arith.mulf %parallel_loop3A_278, %parallel_loop3A_302 : vector<16xf32>
          %parallel_loop3A_358 = arith.constant 0.699999988 : f32
          %parallel_loop3A_359 = vector.broadcast %parallel_loop3A_358 : f32 to vector<16xf32>
          %parallel_loop3A_360 = arith.mulf %parallel_loop3A_359, %parallel_loop3A_357 : vector<16xf32>
          %parallel_loop3A_361 = arith.mulf %parallel_loop3A_270, %parallel_loop3A_286 : vector<16xf32>
          %parallel_loop3A_362 = arith.constant -0.899999976 : f32
          %parallel_loop3A_363 = vector.broadcast %parallel_loop3A_362 : f32 to vector<16xf32>
          %parallel_loop3A_364 = arith.mulf %parallel_loop3A_363, %parallel_loop3A_361 : vector<16xf32>
          %parallel_loop3A_365 = arith.addf %parallel_loop3A_360, %parallel_loop3A_364 : vector<16xf32>
          %parallel_loop3A_366 = arith.constant 384 : i32
          %parallel_loop3A_367 = arith.addi %parallel_loop3A_366, %parallel_loop3A_246 : i32
          %parallel_loop3A_368 = arith.constant 0 : i32
          %parallel_loop3A_369 = arith.index_cast %parallel_loop3A_368 : i32 to index
          %parallel_loop3A_370 = arith.index_cast %parallel_loop3A_228 : i32 to index
          %parallel_loop3A_371 = arith.index_cast %parallel_loop3A_367 : i32 to index
          %parallel_loop3A_372 = tpu.vector_load %arg7[%parallel_loop3A_369, %parallel_loop3A_370, %parallel_loop3A_371] {strides = array<i32>} : memref<3x24x512xf32, #tpu.memory_space<vmem>>, vector<1x1x16xf32>,
          %parallel_loop3A_373 = vector.shape_cast %parallel_loop3A_372 : vector<1x1x16xf32> to vector<16xf32>
          %parallel_loop3A_374 = vector.shape_cast %parallel_loop3A_365 : vector<16xf32> to vector<1x1x16xf32>
          tpu.vector_store %arg7[%parallel_loop3A_369, %parallel_loop3A_370, %parallel_loop3A_371], %parallel_loop3A_374 {strides = array<i32>} : memref<3x24x512xf32, #tpu.memory_space<vmem>>, vector<1x1x16xf32>,
        } {sc.loop_unroll_factor = 2 : i64, sc.parallel_access}
      } else {
      }
      %mul3A_82 = arith.constant 32 : i32
      %mul3A_83 = arith.muli %add3A_54, %mul3A_82 : i32
      %add3A_84 = arith.addi %add3A, %mul3A_83 : i32
      %lt3A_85 = arith.constant 2084 : i32
      %lt3A_86 = arith.cmpi slt, %add3A_84, %lt3A_85 : i32
      %convert_element_type3A_87 = arith.extui %lt3A_86 : i1 to i32
      %cond3A_88 = arith.constant 0 : i32
      %cond3A_89 = arith.cmpi ne, %convert_element_type3A_87, %cond3A_88 : i32
      scf.if %cond3A_89 {
        %mul3A_202 = arith.constant 32 : i32
        %mul3A_203 = arith.muli %add3A_54, %mul3A_202 : i32
        %add3A_204 = arith.addi %add3A, %mul3A_203 : i32
        %mul3A_205 = arith.constant 24 : i32
        %mul3A_206 = arith.muli %add3A_204, %mul3A_205 : i32
        %min3A = arith.constant 49976 : i32
        %min3A_207 = arith.minsi %mul3A_206, %min3A : i32
        %dma_start3A = arith.constant 0 : i32
        %dma_start3A_208 = arith.constant 0 : i32
        %dma_start3A_209 = arith.constant 0 : i32
        %dma_start3A_210 = arith.constant 0 : i32
        %dma_start3A_211 = tpu.memref_slice %arg7[%dma_start3A, %dma_start3A_209, %dma_start3A_210] : memref<3x24x512xf32, #tpu.memory_space<vmem>> -> memref<1x24x512xf32, #tpu.memory_space<vmem>>
        %dma_start3A_212 = tpu.memref_squeeze %dma_start3A_211 : memref<1x24x512xf32, #tpu.memory_space<vmem>> -> memref<24x512xf32, #tpu.memory_space<vmem>>
        %dma_start3A_213 = arith.constant 0 : i32
        %dma_start3A_214 = tpu.memref_slice %arg4[%min3A_207, %dma_start3A_213] : memref<50000x512xf32, #tpu.memory_space<hbm>> -> memref<24x512xf32, #tpu.memory_space<hbm>>
        %dma_start3A_215 = tpu.memref_slice %arg10[%dma_start3A_208] : memref<3x!tpu.dma_semaphore, #tpu.memory_space<semaphore_mem>> -> memref<1x!tpu.dma_semaphore, #tpu.memory_space<semaphore_mem>>
        %dma_start3A_216 = tpu.memref_squeeze %dma_start3A_215 : memref<1x!tpu.dma_semaphore, #tpu.memory_space<semaphore_mem>> -> memref<!tpu.dma_semaphore, #tpu.memory_space<semaphore_mem>>
        %dma_start3A_217 = arith.constant 0 : i32
        %dma_start3A_218 = tpu.memref_slice %arg4[%min3A_207, %dma_start3A_217] : memref<50000x512xf32, #tpu.memory_space<hbm>> -> memref<24x512xf32, #tpu.memory_space<hbm>>
        %dma_start3A_219 = arith.constant 0 : i32
        %dma_start3A_220 = arith.constant 0 : i32
        %dma_start3A_221 = tpu.memref_slice %arg7[%dma_start3A, %dma_start3A_219, %dma_start3A_220] : memref<3x24x512xf32, #tpu.memory_space<vmem>> -> memref<1x24x512xf32, #tpu.memory_space<vmem>>
        %dma_start3A_222 = tpu.memref_squeeze %dma_start3A_221 : memref<1x24x512xf32, #tpu.memory_space<vmem>> -> memref<24x512xf32, #tpu.memory_space<vmem>>
        tpu.enqueue_dma source(%dma_start3A_222 : memref<24x512xf32, #tpu.memory_space<vmem>>) target(%dma_start3A_218 : memref<24x512xf32, #tpu.memory_space<hbm>>) target_semaphore(%dma_start3A_216 : memref<!tpu.dma_semaphore, #tpu.memory_space<semaphore_mem>>)
      } else {
      }
      %add3A_90 = arith.constant 3 : i32
      %add3A_91 = arith.addi %add3A_54, %add3A_90 : i32
      %mul3A_92 = arith.constant 32 : i32
      %mul3A_93 = arith.muli %add3A_91, %mul3A_92 : i32
      %add3A_94 = arith.addi %add3A, %mul3A_93 : i32
      %lt3A_95 = arith.constant 2084 : i32
      %lt3A_96 = arith.cmpi slt, %add3A_94, %lt3A_95 : i32
      %convert_element_type3A_97 = arith.extui %lt3A_96 : i1 to i32
      %cond3A_98 = arith.constant 0 : i32
      %cond3A_99 = arith.cmpi ne, %convert_element_type3A_97, %cond3A_98 : i32
      scf.if %cond3A_99 {
        %mul3A_202 = arith.constant 32 : i32
        %mul3A_203 = arith.muli %add3A_91, %mul3A_202 : i32
        %add3A_204 = arith.addi %add3A, %mul3A_203 : i32
        %mul3A_205 = arith.constant 24 : i32
        %mul3A_206 = arith.muli %add3A_204, %mul3A_205 : i32
        %min3A = arith.constant 49976 : i32
        %min3A_207 = arith.minsi %mul3A_206, %min3A : i32
        %dma_start3A = arith.constant 0 : i32
        %dma_start3A_208 = arith.constant 0 : i32
        %dma_start3A_209 = arith.constant 0 : i32
        %dma_start3A_210 = arith.constant 0 : i32
        %dma_start3A_211 = tpu.memref_slice %arg5[%dma_start3A, %dma_start3A_209, %dma_start3A_210] : memref<3x24x512xf32, #tpu.memory_space<vmem>> -> memref<1x24x512xf32, #tpu.memory_space<vmem>>
        %dma_start3A_212 = tpu.memref_squeeze %dma_start3A_211 : memref<1x24x512xf32, #tpu.memory_space<vmem>> -> memref<24x512xf32, #tpu.memory_space<vmem>>
        %dma_start3A_213 = arith.constant 0 : i32
        %dma_start3A_214 = tpu.memref_slice %arg2[%min3A_207, %dma_start3A_213] : memref<50000x512xf32, #tpu.memory_space<hbm>> -> memref<24x512xf32, #tpu.memory_space<hbm>>
        %dma_start3A_215 = tpu.memref_slice %arg8[%dma_start3A_208] : memref<3x!tpu.dma_semaphore, #tpu.memory_space<semaphore_mem>> -> memref<1x!tpu.dma_semaphore, #tpu.memory_space<semaphore_mem>>
        %dma_start3A_216 = tpu.memref_squeeze %dma_start3A_215 : memref<1x!tpu.dma_semaphore, #tpu.memory_space<semaphore_mem>> -> memref<!tpu.dma_semaphore, #tpu.memory_space<semaphore_mem>>
        %dma_start3A_217 = arith.constant 0 : i32
        %dma_start3A_218 = arith.constant 0 : i32
        %dma_start3A_219 = tpu.memref_slice %arg5[%dma_start3A, %dma_start3A_217, %dma_start3A_218] : memref<3x24x512xf32, #tpu.memory_space<vmem>> -> memref<1x24x512xf32, #tpu.memory_space<vmem>>
        %dma_start3A_220 = tpu.memref_squeeze %dma_start3A_219 : memref<1x24x512xf32, #tpu.memory_space<vmem>> -> memref<24x512xf32, #tpu.memory_space<vmem>>
        %dma_start3A_221 = arith.constant 0 : i32
        %dma_start3A_222 = tpu.memref_slice %arg2[%min3A_207, %dma_start3A_221] : memref<50000x512xf32, #tpu.memory_space<hbm>> -> memref<24x512xf32, #tpu.memory_space<hbm>>
        tpu.enqueue_dma source(%dma_start3A_222 : memref<24x512xf32, #tpu.memory_space<hbm>>) target(%dma_start3A_220 : memref<24x512xf32, #tpu.memory_space<vmem>>) target_semaphore(%dma_start3A_216 : memref<!tpu.dma_semaphore, #tpu.memory_space<semaphore_mem>>)
        %dma_start3A_223 = arith.constant 0 : i32
        %dma_start3A_224 = arith.constant 0 : i32
        %dma_start3A_225 = arith.constant 0 : i32
        %dma_start3A_226 = arith.constant 0 : i32
        %dma_start3A_227 = tpu.memref_slice %arg6[%dma_start3A_223, %dma_start3A_225, %dma_start3A_226] : memref<3x24x384xf32, #tpu.memory_space<vmem>> -> memref<1x24x384xf32, #tpu.memory_space<vmem>>
        %dma_start3A_228 = tpu.memref_squeeze %dma_start3A_227 : memref<1x24x384xf32, #tpu.memory_space<vmem>> -> memref<24x384xf32, #tpu.memory_space<vmem>>
        %dma_start3A_229 = arith.constant 0 : i32
        %dma_start3A_230 = tpu.memref_slice %arg3[%min3A_207, %dma_start3A_229] : memref<50000x384xf32, #tpu.memory_space<hbm>> -> memref<24x384xf32, #tpu.memory_space<hbm>>
        %dma_start3A_231 = tpu.memref_slice %arg9[%dma_start3A_224] : memref<3x!tpu.dma_semaphore, #tpu.memory_space<semaphore_mem>> -> memref<1x!tpu.dma_semaphore, #tpu.memory_space<semaphore_mem>>
        %dma_start3A_232 = tpu.memref_squeeze %dma_start3A_231 : memref<1x!tpu.dma_semaphore, #tpu.memory_space<semaphore_mem>> -> memref<!tpu.dma_semaphore, #tpu.memory_space<semaphore_mem>>
        %dma_start3A_233 = arith.constant 0 : i32
        %dma_start3A_234 = arith.constant 0 : i32
        %dma_start3A_235 = tpu.memref_slice %arg6[%dma_start3A_223, %dma_start3A_233, %dma_start3A_234] : memref<3x24x384xf32, #tpu.memory_space<vmem>> -> memref<1x24x384xf32, #tpu.memory_space<vmem>>
        %dma_start3A_236 = tpu.memref_squeeze %dma_start3A_235 : memref<1x24x384xf32, #tpu.memory_space<vmem>> -> memref<24x384xf32, #tpu.memory_space<vmem>>
        %dma_start3A_237 = arith.constant 0 : i32
        %dma_start3A_238 = tpu.memref_slice %arg3[%min3A_207, %dma_start3A_237] : memref<50000x384xf32, #tpu.memory_space<hbm>> -> memref<24x384xf32, #tpu.memory_space<hbm>>
        tpu.enqueue_dma source(%dma_start3A_238 : memref<24x384xf32, #tpu.memory_space<hbm>>) target(%dma_start3A_236 : memref<24x384xf32, #tpu.memory_space<vmem>>) target_semaphore(%dma_start3A_232 : memref<!tpu.dma_semaphore, #tpu.memory_space<semaphore_mem>>)
      } else {
      }
      %mul3A_100 = arith.constant 3 : i32
      %mul3A_101 = arith.muli %mul3A_100, %scan3A_50 : i32
      %add3A_102 = arith.constant 1 : i32
      %add3A_103 = arith.addi %mul3A_101, %add3A_102 : i32
      %mul3A_104 = arith.constant 32 : i32
      %mul3A_105 = arith.muli %add3A_103, %mul3A_104 : i32
      %add3A_106 = arith.addi %add3A, %mul3A_105 : i32
      %lt3A_107 = arith.constant 2084 : i32
      %lt3A_108 = arith.cmpi slt, %add3A_106, %lt3A_107 : i32
      %convert_element_type3A_109 = arith.extui %lt3A_108 : i1 to i32
      %cond3A_110 = arith.constant 0 : i32
      %cond3A_111 = arith.cmpi ne, %convert_element_type3A_109, %cond3A_110 : i32
      scf.if %cond3A_111 {
        %dma_wait3A = arith.constant 1 : i32
        %dma_wait3A_202 = arith.constant 1 : i32
        %dma_wait3A_203 = arith.constant 0 : i32
        %dma_wait3A_204 = arith.constant 0 : i32
        %dma_wait3A_205 = tpu.memref_slice %arg5[%dma_wait3A, %dma_wait3A_203, %dma_wait3A_204] : memref<3x24x512xf32, #tpu.memory_space<vmem>> -> memref<1x24x512xf32, #tpu.memory_space<vmem>>
        %dma_wait3A_206 = tpu.memref_squeeze %dma_wait3A_205 : memref<1x24x512xf32, #tpu.memory_space<vmem>> -> memref<24x512xf32, #tpu.memory_space<vmem>>
        %dma_wait3A_207 = arith.constant 0 : i32
        %dma_wait3A_208 = arith.constant 0 : i32
        %dma_wait3A_209 = tpu.memref_slice %arg2[%dma_wait3A_207, %dma_wait3A_208] : memref<50000x512xf32, #tpu.memory_space<hbm>> -> memref<24x512xf32, #tpu.memory_space<hbm>>
        %dma_wait3A_210 = tpu.memref_slice %arg8[%dma_wait3A_202] : memref<3x!tpu.dma_semaphore, #tpu.memory_space<semaphore_mem>> -> memref<1x!tpu.dma_semaphore, #tpu.memory_space<semaphore_mem>>
        %dma_wait3A_211 = tpu.memref_squeeze %dma_wait3A_210 : memref<1x!tpu.dma_semaphore, #tpu.memory_space<semaphore_mem>> -> memref<!tpu.dma_semaphore, #tpu.memory_space<semaphore_mem>>
        %dma_wait3A_212 = arith.constant 0 : i32
        %dma_wait3A_213 = arith.constant 0 : i32
        %dma_wait3A_214 = tpu.memref_slice %arg5[%dma_wait3A, %dma_wait3A_212, %dma_wait3A_213] : memref<3x24x512xf32, #tpu.memory_space<vmem>> -> memref<1x24x512xf32, #tpu.memory_space<vmem>>
        %dma_wait3A_215 = tpu.memref_squeeze %dma_wait3A_214 : memref<1x24x512xf32, #tpu.memory_space<vmem>> -> memref<24x512xf32, #tpu.memory_space<vmem>>
        %dma_wait3A_216 = arith.constant 0 : i32
        %dma_wait3A_217 = arith.constant 0 : i32
        %dma_wait3A_218 = tpu.memref_slice %arg2[%dma_wait3A_216, %dma_wait3A_217] : memref<50000x512xf32, #tpu.memory_space<hbm>> -> memref<24x512xf32, #tpu.memory_space<hbm>>
        tpu.wait_dma2 semaphore(%dma_wait3A_211 : memref<!tpu.dma_semaphore, #tpu.memory_space<semaphore_mem>>) src(%dma_wait3A_218 : memref<24x512xf32, #tpu.memory_space<hbm>>) dst(%dma_wait3A_215 : memref<24x512xf32, #tpu.memory_space<vmem>>)
        %dma_wait3A_219 = arith.constant 1 : i32
        %dma_wait3A_220 = arith.constant 1 : i32
        %dma_wait3A_221 = arith.constant 0 : i32
        %dma_wait3A_222 = arith.constant 0 : i32
        %dma_wait3A_223 = tpu.memref_slice %arg6[%dma_wait3A_219, %dma_wait3A_221, %dma_wait3A_222] : memref<3x24x384xf32, #tpu.memory_space<vmem>> -> memref<1x24x384xf32, #tpu.memory_space<vmem>>
        %dma_wait3A_224 = tpu.memref_squeeze %dma_wait3A_223 : memref<1x24x384xf32, #tpu.memory_space<vmem>> -> memref<24x384xf32, #tpu.memory_space<vmem>>
        %dma_wait3A_225 = arith.constant 0 : i32
        %dma_wait3A_226 = arith.constant 0 : i32
        %dma_wait3A_227 = tpu.memref_slice %arg3[%dma_wait3A_225, %dma_wait3A_226] : memref<50000x384xf32, #tpu.memory_space<hbm>> -> memref<24x384xf32, #tpu.memory_space<hbm>>
        %dma_wait3A_228 = tpu.memref_slice %arg9[%dma_wait3A_220] : memref<3x!tpu.dma_semaphore, #tpu.memory_space<semaphore_mem>> -> memref<1x!tpu.dma_semaphore, #tpu.memory_space<semaphore_mem>>
        %dma_wait3A_229 = tpu.memref_squeeze %dma_wait3A_228 : memref<1x!tpu.dma_semaphore, #tpu.memory_space<semaphore_mem>> -> memref<!tpu.dma_semaphore, #tpu.memory_space<semaphore_mem>>
        %dma_wait3A_230 = arith.constant 0 : i32
        %dma_wait3A_231 = arith.constant 0 : i32
        %dma_wait3A_232 = tpu.memref_slice %arg6[%dma_wait3A_219, %dma_wait3A_230, %dma_wait3A_231] : memref<3x24x384xf32, #tpu.memory_space<vmem>> -> memref<1x24x384xf32, #tpu.memory_space<vmem>>
        %dma_wait3A_233 = tpu.memref_squeeze %dma_wait3A_232 : memref<1x24x384xf32, #tpu.memory_space<vmem>> -> memref<24x384xf32, #tpu.memory_space<vmem>>
        %dma_wait3A_234 = arith.constant 0 : i32
        %dma_wait3A_235 = arith.constant 0 : i32
        %dma_wait3A_236 = tpu.memref_slice %arg3[%dma_wait3A_234, %dma_wait3A_235] : memref<50000x384xf32, #tpu.memory_space<hbm>> -> memref<24x384xf32, #tpu.memory_space<hbm>>
        tpu.wait_dma2 semaphore(%dma_wait3A_229 : memref<!tpu.dma_semaphore, #tpu.memory_space<semaphore_mem>>) src(%dma_wait3A_236 : memref<24x384xf32, #tpu.memory_space<hbm>>) dst(%dma_wait3A_233 : memref<24x384xf32, #tpu.memory_space<vmem>>)
      } else {
      }
      %sub3A_112 = arith.constant 3 : i32
      %sub3A_113 = arith.subi %add3A_103, %sub3A_112 : i32
      %ge3A_114 = arith.constant 0 : i32
      %ge3A_115 = arith.cmpi sge, %sub3A_113, %ge3A_114 : i32
      %mul3A_116 = arith.constant 32 : i32
      %mul3A_117 = arith.muli %sub3A_113, %mul3A_116 : i32
      %add3A_118 = arith.addi %add3A, %mul3A_117 : i32
      %lt3A_119 = arith.constant 2084 : i32
      %lt3A_120 = arith.cmpi slt, %add3A_118, %lt3A_119 : i32
      %and3A_121 = arith.andi %ge3A_115, %lt3A_120 : i1
      %convert_element_type3A_122 = arith.extui %and3A_121 : i1 to i32
      %cond3A_123 = arith.constant 0 : i32
      %cond3A_124 = arith.cmpi ne, %convert_element_type3A_122, %cond3A_123 : i32
      scf.if %cond3A_124 {
        %dma_wait3A = arith.constant 1 : i32
        %dma_wait3A_202 = arith.constant 1 : i32
        %dma_wait3A_203 = arith.constant 0 : i32
        %dma_wait3A_204 = arith.constant 0 : i32
        %dma_wait3A_205 = tpu.memref_slice %arg7[%dma_wait3A, %dma_wait3A_203, %dma_wait3A_204] : memref<3x24x512xf32, #tpu.memory_space<vmem>> -> memref<1x24x512xf32, #tpu.memory_space<vmem>>
        %dma_wait3A_206 = tpu.memref_squeeze %dma_wait3A_205 : memref<1x24x512xf32, #tpu.memory_space<vmem>> -> memref<24x512xf32, #tpu.memory_space<vmem>>
        %dma_wait3A_207 = arith.constant 0 : i32
        %dma_wait3A_208 = arith.constant 0 : i32
        %dma_wait3A_209 = tpu.memref_slice %arg4[%dma_wait3A_207, %dma_wait3A_208] : memref<50000x512xf32, #tpu.memory_space<hbm>> -> memref<24x512xf32, #tpu.memory_space<hbm>>
        %dma_wait3A_210 = tpu.memref_slice %arg10[%dma_wait3A_202] : memref<3x!tpu.dma_semaphore, #tpu.memory_space<semaphore_mem>> -> memref<1x!tpu.dma_semaphore, #tpu.memory_space<semaphore_mem>>
        %dma_wait3A_211 = tpu.memref_squeeze %dma_wait3A_210 : memref<1x!tpu.dma_semaphore, #tpu.memory_space<semaphore_mem>> -> memref<!tpu.dma_semaphore, #tpu.memory_space<semaphore_mem>>
        %dma_wait3A_212 = arith.constant 0 : i32
        %dma_wait3A_213 = arith.constant 0 : i32
        %dma_wait3A_214 = tpu.memref_slice %arg4[%dma_wait3A_212, %dma_wait3A_213] : memref<50000x512xf32, #tpu.memory_space<hbm>> -> memref<24x512xf32, #tpu.memory_space<hbm>>
        %dma_wait3A_215 = arith.constant 0 : i32
        %dma_wait3A_216 = arith.constant 0 : i32
        %dma_wait3A_217 = tpu.memref_slice %arg7[%dma_wait3A, %dma_wait3A_215, %dma_wait3A_216] : memref<3x24x512xf32, #tpu.memory_space<vmem>> -> memref<1x24x512xf32, #tpu.memory_space<vmem>>
        %dma_wait3A_218 = tpu.memref_squeeze %dma_wait3A_217 : memref<1x24x512xf32, #tpu.memory_space<vmem>> -> memref<24x512xf32, #tpu.memory_space<vmem>>
        tpu.wait_dma2 semaphore(%dma_wait3A_211 : memref<!tpu.dma_semaphore, #tpu.memory_space<semaphore_mem>>) src(%dma_wait3A_218 : memref<24x512xf32, #tpu.memory_space<vmem>>) dst(%dma_wait3A_214 : memref<24x512xf32, #tpu.memory_space<hbm>>)
      } else {
      }
      %mul3A_125 = arith.constant 32 : i32
      %mul3A_126 = arith.muli %add3A_103, %mul3A_125 : i32
      %add3A_127 = arith.addi %add3A, %mul3A_126 : i32
      %lt3A_128 = arith.constant 2084 : i32
      %lt3A_129 = arith.cmpi slt, %add3A_127, %lt3A_128 : i32
      %convert_element_type3A_130 = arith.extui %lt3A_129 : i1 to i32
      %cond3A_131 = arith.constant 0 : i32
      %cond3A_132 = arith.cmpi ne, %convert_element_type3A_130, %cond3A_131 : i32
      scf.if %cond3A_132 {
        %parallel_loop3A = arith.constant 0 : i32
        %parallel_loop3A_202 = arith.constant 192 : i32
        %parallel_loop3A_203 = arith.constant 1 : i32
        scf.for %parallel_loop3A_204 = %parallel_loop3A to %parallel_loop3A_202 step %parallel_loop3A_203  : i32 {
          %parallel_loop3A_205 = arith.constant 8 : i32
          %parallel_loop3A_206 = arith.divsi %parallel_loop3A_204, %parallel_loop3A_205 : i32
          %parallel_loop3A_207 = arith.constant 0 : i32
          %parallel_loop3A_208 = arith.cmpi sgt, %parallel_loop3A_204, %parallel_loop3A_207 : i32
          %parallel_loop3A_209 = arith.extui %parallel_loop3A_208 : i1 to i32
          %parallel_loop3A_210 = arith.constant 0 : i32
          %parallel_loop3A_211 = arith.cmpi slt, %parallel_loop3A_204, %parallel_loop3A_210 : i32
          %parallel_loop3A_212 = arith.extui %parallel_loop3A_211 : i1 to i32
          %parallel_loop3A_213 = arith.subi %parallel_loop3A_209, %parallel_loop3A_212 : i32
          %parallel_loop3A_214 = arith.constant 0 : i32
          %parallel_loop3A_215 = arith.cmpi sgt, %parallel_loop3A_205, %parallel_loop3A_214 : i32
          %parallel_loop3A_216 = arith.extui %parallel_loop3A_215 : i1 to i32
          %parallel_loop3A_217 = arith.constant 0 : i32
          %parallel_loop3A_218 = arith.cmpi slt, %parallel_loop3A_205, %parallel_loop3A_217 : i32
          %parallel_loop3A_219 = arith.extui %parallel_loop3A_218 : i1 to i32
          %parallel_loop3A_220 = arith.subi %parallel_loop3A_216, %parallel_loop3A_219 : i32
          %parallel_loop3A_221 = arith.cmpi ne, %parallel_loop3A_213, %parallel_loop3A_220 : i32
          %parallel_loop3A_222 = arith.remsi %parallel_loop3A_204, %parallel_loop3A_205 : i32
          %parallel_loop3A_223 = arith.constant 0 : i32
          %parallel_loop3A_224 = arith.cmpi ne, %parallel_loop3A_222, %parallel_loop3A_223 : i32
          %parallel_loop3A_225 = arith.andi %parallel_loop3A_221, %parallel_loop3A_224 : i1
          %parallel_loop3A_226 = arith.constant 1 : i32
          %parallel_loop3A_227 = arith.subi %parallel_loop3A_206, %parallel_loop3A_226 : i32
          %parallel_loop3A_228 = arith.select %parallel_loop3A_225, %parallel_loop3A_227, %parallel_loop3A_206 : i32
          %parallel_loop3A_229 = arith.constant 8 : i32
          %parallel_loop3A_230 = arith.constant 0 : i32
          %parallel_loop3A_231 = arith.cmpi eq, %parallel_loop3A_229, %parallel_loop3A_230 : i32
          %parallel_loop3A_232 = arith.constant 1 : i32
          %parallel_loop3A_233 = arith.select %parallel_loop3A_231, %parallel_loop3A_232, %parallel_loop3A_229 : i32
          %parallel_loop3A_234 = arith.remsi %parallel_loop3A_204, %parallel_loop3A_233 : i32
          %parallel_loop3A_235 = arith.constant 0 : i32
          %parallel_loop3A_236 = arith.cmpi ne, %parallel_loop3A_234, %parallel_loop3A_235 : i32
          %parallel_loop3A_237 = arith.constant 0 : i32
          %parallel_loop3A_238 = arith.cmpi slt, %parallel_loop3A_234, %parallel_loop3A_237 : i32
          %parallel_loop3A_239 = arith.constant 0 : i32
          %parallel_loop3A_240 = arith.cmpi slt, %parallel_loop3A_233, %parallel_loop3A_239 : i32
          %parallel_loop3A_241 = arith.xori %parallel_loop3A_238, %parallel_loop3A_240 : i1
          %parallel_loop3A_242 = arith.andi %parallel_loop3A_241, %parallel_loop3A_236 : i1
          %parallel_loop3A_243 = arith.addi %parallel_loop3A_234, %parallel_loop3A_233 : i32
          %parallel_loop3A_244 = arith.select %parallel_loop3A_242, %parallel_loop3A_243, %parallel_loop3A_234 : i32
          %parallel_loop3A_245 = arith.constant 16 : i32
          %parallel_loop3A_246 = arith.muli %parallel_loop3A_244, %parallel_loop3A_245 : i32
          %parallel_loop3A_247 = arith.constant 0 : i32
          %parallel_loop3A_248 = arith.addi %parallel_loop3A_247, %parallel_loop3A_246 : i32
          %parallel_loop3A_249 = arith.constant 1 : i32
          %parallel_loop3A_250 = arith.index_cast %parallel_loop3A_249 : i32 to index
          %parallel_loop3A_251 = arith.index_cast %parallel_loop3A_228 : i32 to index
          %parallel_loop3A_252 = arith.index_cast %parallel_loop3A_248 : i32 to index
          %parallel_loop3A_253 = tpu.vector_load %arg5[%parallel_loop3A_250, %parallel_loop3A_251, %parallel_loop3A_252] {strides = array<i32>} : memref<3x24x512xf32, #tpu.memory_space<vmem>>, vector<1x1x16xf32>,
          %parallel_loop3A_254 = vector.shape_cast %parallel_loop3A_253 : vector<1x1x16xf32> to vector<16xf32>
          %parallel_loop3A_255 = arith.constant 128 : i32
          %parallel_loop3A_256 = arith.addi %parallel_loop3A_255, %parallel_loop3A_246 : i32
          %parallel_loop3A_257 = arith.constant 1 : i32
          %parallel_loop3A_258 = arith.index_cast %parallel_loop3A_257 : i32 to index
          %parallel_loop3A_259 = arith.index_cast %parallel_loop3A_228 : i32 to index
          %parallel_loop3A_260 = arith.index_cast %parallel_loop3A_256 : i32 to index
          %parallel_loop3A_261 = tpu.vector_load %arg5[%parallel_loop3A_258, %parallel_loop3A_259, %parallel_loop3A_260] {strides = array<i32>} : memref<3x24x512xf32, #tpu.memory_space<vmem>>, vector<1x1x16xf32>,
          %parallel_loop3A_262 = vector.shape_cast %parallel_loop3A_261 : vector<1x1x16xf32> to vector<16xf32>
          %parallel_loop3A_263 = arith.constant 256 : i32
          %parallel_loop3A_264 = arith.addi %parallel_loop3A_263, %parallel_loop3A_246 : i32
          %parallel_loop3A_265 = arith.constant 1 : i32
          %parallel_loop3A_266 = arith.index_cast %parallel_loop3A_265 : i32 to index
          %parallel_loop3A_267 = arith.index_cast %parallel_loop3A_228 : i32 to index
          %parallel_loop3A_268 = arith.index_cast %parallel_loop3A_264 : i32 to index
          %parallel_loop3A_269 = tpu.vector_load %arg5[%parallel_loop3A_266, %parallel_loop3A_267, %parallel_loop3A_268] {strides = array<i32>} : memref<3x24x512xf32, #tpu.memory_space<vmem>>, vector<1x1x16xf32>,
          %parallel_loop3A_270 = vector.shape_cast %parallel_loop3A_269 : vector<1x1x16xf32> to vector<16xf32>
          %parallel_loop3A_271 = arith.constant 384 : i32
          %parallel_loop3A_272 = arith.addi %parallel_loop3A_271, %parallel_loop3A_246 : i32
          %parallel_loop3A_273 = arith.constant 1 : i32
          %parallel_loop3A_274 = arith.index_cast %parallel_loop3A_273 : i32 to index
          %parallel_loop3A_275 = arith.index_cast %parallel_loop3A_228 : i32 to index
          %parallel_loop3A_276 = arith.index_cast %parallel_loop3A_272 : i32 to index
          %parallel_loop3A_277 = tpu.vector_load %arg5[%parallel_loop3A_274, %parallel_loop3A_275, %parallel_loop3A_276] {strides = array<i32>} : memref<3x24x512xf32, #tpu.memory_space<vmem>>, vector<1x1x16xf32>,
          %parallel_loop3A_278 = vector.shape_cast %parallel_loop3A_277 : vector<1x1x16xf32> to vector<16xf32>
          %parallel_loop3A_279 = arith.constant 0 : i32
          %parallel_loop3A_280 = arith.addi %parallel_loop3A_279, %parallel_loop3A_246 : i32
          %parallel_loop3A_281 = arith.constant 1 : i32
          %parallel_loop3A_282 = arith.index_cast %parallel_loop3A_281 : i32 to index
          %parallel_loop3A_283 = arith.index_cast %parallel_loop3A_228 : i32 to index
          %parallel_loop3A_284 = arith.index_cast %parallel_loop3A_280 : i32 to index
          %parallel_loop3A_285 = tpu.vector_load %arg6[%parallel_loop3A_282, %parallel_loop3A_283, %parallel_loop3A_284] {strides = array<i32>} : memref<3x24x384xf32, #tpu.memory_space<vmem>>, vector<1x1x16xf32>,
          %parallel_loop3A_286 = vector.shape_cast %parallel_loop3A_285 : vector<1x1x16xf32> to vector<16xf32>
          %parallel_loop3A_287 = arith.constant 128 : i32
          %parallel_loop3A_288 = arith.addi %parallel_loop3A_287, %parallel_loop3A_246 : i32
          %parallel_loop3A_289 = arith.constant 1 : i32
          %parallel_loop3A_290 = arith.index_cast %parallel_loop3A_289 : i32 to index
          %parallel_loop3A_291 = arith.index_cast %parallel_loop3A_228 : i32 to index
          %parallel_loop3A_292 = arith.index_cast %parallel_loop3A_288 : i32 to index
          %parallel_loop3A_293 = tpu.vector_load %arg6[%parallel_loop3A_290, %parallel_loop3A_291, %parallel_loop3A_292] {strides = array<i32>} : memref<3x24x384xf32, #tpu.memory_space<vmem>>, vector<1x1x16xf32>,
          %parallel_loop3A_294 = vector.shape_cast %parallel_loop3A_293 : vector<1x1x16xf32> to vector<16xf32>
          %parallel_loop3A_295 = arith.constant 256 : i32
          %parallel_loop3A_296 = arith.addi %parallel_loop3A_295, %parallel_loop3A_246 : i32
          %parallel_loop3A_297 = arith.constant 1 : i32
          %parallel_loop3A_298 = arith.index_cast %parallel_loop3A_297 : i32 to index
          %parallel_loop3A_299 = arith.index_cast %parallel_loop3A_228 : i32 to index
          %parallel_loop3A_300 = arith.index_cast %parallel_loop3A_296 : i32 to index
          %parallel_loop3A_301 = tpu.vector_load %arg6[%parallel_loop3A_298, %parallel_loop3A_299, %parallel_loop3A_300] {strides = array<i32>} : memref<3x24x384xf32, #tpu.memory_space<vmem>>, vector<1x1x16xf32>,
          %parallel_loop3A_302 = vector.shape_cast %parallel_loop3A_301 : vector<1x1x16xf32> to vector<16xf32>
          %parallel_loop3A_303 = arith.mulf %parallel_loop3A_254, %parallel_loop3A_286 : vector<16xf32>
          %parallel_loop3A_304 = arith.constant 1.000000e+00 : f32
          %parallel_loop3A_305 = vector.broadcast %parallel_loop3A_304 : f32 to vector<16xf32>
          %parallel_loop3A_306 = arith.mulf %parallel_loop3A_305, %parallel_loop3A_303 : vector<16xf32>
          %parallel_loop3A_307 = arith.mulf %parallel_loop3A_278, %parallel_loop3A_294 : vector<16xf32>
          %parallel_loop3A_308 = arith.constant 4.000000e-01 : f32
          %parallel_loop3A_309 = vector.broadcast %parallel_loop3A_308 : f32 to vector<16xf32>
          %parallel_loop3A_310 = arith.mulf %parallel_loop3A_309, %parallel_loop3A_307 : vector<16xf32>
          %parallel_loop3A_311 = arith.addf %parallel_loop3A_306, %parallel_loop3A_310 : vector<16xf32>
          %parallel_loop3A_312 = arith.constant 0 : i32
          %parallel_loop3A_313 = arith.addi %parallel_loop3A_312, %parallel_loop3A_246 : i32
          %parallel_loop3A_314 = arith.constant 1 : i32
          %parallel_loop3A_315 = arith.index_cast %parallel_loop3A_314 : i32 to index
          %parallel_loop3A_316 = arith.index_cast %parallel_loop3A_228 : i32 to index
          %parallel_loop3A_317 = arith.index_cast %parallel_loop3A_313 : i32 to index
          %parallel_loop3A_318 = tpu.vector_load %arg7[%parallel_loop3A_315, %parallel_loop3A_316, %parallel_loop3A_317] {strides = array<i32>} : memref<3x24x512xf32, #tpu.memory_space<vmem>>, vector<1x1x16xf32>,
          %parallel_loop3A_319 = vector.shape_cast %parallel_loop3A_318 : vector<1x1x16xf32> to vector<16xf32>
          %parallel_loop3A_320 = vector.shape_cast %parallel_loop3A_311 : vector<16xf32> to vector<1x1x16xf32>
          tpu.vector_store %arg7[%parallel_loop3A_315, %parallel_loop3A_316, %parallel_loop3A_317], %parallel_loop3A_320 {strides = array<i32>} : memref<3x24x512xf32, #tpu.memory_space<vmem>>, vector<1x1x16xf32>,
          %parallel_loop3A_321 = arith.mulf %parallel_loop3A_262, %parallel_loop3A_286 : vector<16xf32>
          %parallel_loop3A_322 = arith.constant 5.000000e-01 : f32
          %parallel_loop3A_323 = vector.broadcast %parallel_loop3A_322 : f32 to vector<16xf32>
          %parallel_loop3A_324 = arith.mulf %parallel_loop3A_323, %parallel_loop3A_321 : vector<16xf32>
          %parallel_loop3A_325 = arith.mulf %parallel_loop3A_254, %parallel_loop3A_294 : vector<16xf32>
          %parallel_loop3A_326 = arith.constant 2.000000e-01 : f32
          %parallel_loop3A_327 = vector.broadcast %parallel_loop3A_326 : f32 to vector<16xf32>
          %parallel_loop3A_328 = arith.mulf %parallel_loop3A_327, %parallel_loop3A_325 : vector<16xf32>
          %parallel_loop3A_329 = arith.addf %parallel_loop3A_324, %parallel_loop3A_328 : vector<16xf32>
          %parallel_loop3A_330 = arith.constant 128 : i32
          %parallel_loop3A_331 = arith.addi %parallel_loop3A_330, %parallel_loop3A_246 : i32
          %parallel_loop3A_332 = arith.constant 1 : i32
          %parallel_loop3A_333 = arith.index_cast %parallel_loop3A_332 : i32 to index
          %parallel_loop3A_334 = arith.index_cast %parallel_loop3A_228 : i32 to index
          %parallel_loop3A_335 = arith.index_cast %parallel_loop3A_331 : i32 to index
          %parallel_loop3A_336 = tpu.vector_load %arg7[%parallel_loop3A_333, %parallel_loop3A_334, %parallel_loop3A_335] {strides = array<i32>} : memref<3x24x512xf32, #tpu.memory_space<vmem>>, vector<1x1x16xf32>,
          %parallel_loop3A_337 = vector.shape_cast %parallel_loop3A_336 : vector<1x1x16xf32> to vector<16xf32>
          %parallel_loop3A_338 = vector.shape_cast %parallel_loop3A_329 : vector<16xf32> to vector<1x1x16xf32>
          tpu.vector_store %arg7[%parallel_loop3A_333, %parallel_loop3A_334, %parallel_loop3A_335], %parallel_loop3A_338 {strides = array<i32>} : memref<3x24x512xf32, #tpu.memory_space<vmem>>, vector<1x1x16xf32>,
          %parallel_loop3A_339 = arith.mulf %parallel_loop3A_270, %parallel_loop3A_294 : vector<16xf32>
          %parallel_loop3A_340 = arith.constant -3.000000e-01 : f32
          %parallel_loop3A_341 = vector.broadcast %parallel_loop3A_340 : f32 to vector<16xf32>
          %parallel_loop3A_342 = arith.mulf %parallel_loop3A_341, %parallel_loop3A_339 : vector<16xf32>
          %parallel_loop3A_343 = arith.mulf %parallel_loop3A_262, %parallel_loop3A_302 : vector<16xf32>
          %parallel_loop3A_344 = arith.constant 1.100000e+00 : f32
          %parallel_loop3A_345 = vector.broadcast %parallel_loop3A_344 : f32 to vector<16xf32>
          %parallel_loop3A_346 = arith.mulf %parallel_loop3A_345, %parallel_loop3A_343 : vector<16xf32>
          %parallel_loop3A_347 = arith.addf %parallel_loop3A_342, %parallel_loop3A_346 : vector<16xf32>
          %parallel_loop3A_348 = arith.constant 256 : i32
          %parallel_loop3A_349 = arith.addi %parallel_loop3A_348, %parallel_loop3A_246 : i32
          %parallel_loop3A_350 = arith.constant 1 : i32
          %parallel_loop3A_351 = arith.index_cast %parallel_loop3A_350 : i32 to index
          %parallel_loop3A_352 = arith.index_cast %parallel_loop3A_228 : i32 to index
          %parallel_loop3A_353 = arith.index_cast %parallel_loop3A_349 : i32 to index
          %parallel_loop3A_354 = tpu.vector_load %arg7[%parallel_loop3A_351, %parallel_loop3A_352, %parallel_loop3A_353] {strides = array<i32>} : memref<3x24x512xf32, #tpu.memory_space<vmem>>, vector<1x1x16xf32>,
          %parallel_loop3A_355 = vector.shape_cast %parallel_loop3A_354 : vector<1x1x16xf32> to vector<16xf32>
          %parallel_loop3A_356 = vector.shape_cast %parallel_loop3A_347 : vector<16xf32> to vector<1x1x16xf32>
          tpu.vector_store %arg7[%parallel_loop3A_351, %parallel_loop3A_352, %parallel_loop3A_353], %parallel_loop3A_356 {strides = array<i32>} : memref<3x24x512xf32, #tpu.memory_space<vmem>>, vector<1x1x16xf32>,
          %parallel_loop3A_357 = arith.mulf %parallel_loop3A_278, %parallel_loop3A_302 : vector<16xf32>
          %parallel_loop3A_358 = arith.constant 0.699999988 : f32
          %parallel_loop3A_359 = vector.broadcast %parallel_loop3A_358 : f32 to vector<16xf32>
          %parallel_loop3A_360 = arith.mulf %parallel_loop3A_359, %parallel_loop3A_357 : vector<16xf32>
          %parallel_loop3A_361 = arith.mulf %parallel_loop3A_270, %parallel_loop3A_286 : vector<16xf32>
          %parallel_loop3A_362 = arith.constant -0.899999976 : f32
          %parallel_loop3A_363 = vector.broadcast %parallel_loop3A_362 : f32 to vector<16xf32>
          %parallel_loop3A_364 = arith.mulf %parallel_loop3A_363, %parallel_loop3A_361 : vector<16xf32>
          %parallel_loop3A_365 = arith.addf %parallel_loop3A_360, %parallel_loop3A_364 : vector<16xf32>
          %parallel_loop3A_366 = arith.constant 384 : i32
          %parallel_loop3A_367 = arith.addi %parallel_loop3A_366, %parallel_loop3A_246 : i32
          %parallel_loop3A_368 = arith.constant 1 : i32
          %parallel_loop3A_369 = arith.index_cast %parallel_loop3A_368 : i32 to index
          %parallel_loop3A_370 = arith.index_cast %parallel_loop3A_228 : i32 to index
          %parallel_loop3A_371 = arith.index_cast %parallel_loop3A_367 : i32 to index
          %parallel_loop3A_372 = tpu.vector_load %arg7[%parallel_loop3A_369, %parallel_loop3A_370, %parallel_loop3A_371] {strides = array<i32>} : memref<3x24x512xf32, #tpu.memory_space<vmem>>, vector<1x1x16xf32>,
          %parallel_loop3A_373 = vector.shape_cast %parallel_loop3A_372 : vector<1x1x16xf32> to vector<16xf32>
          %parallel_loop3A_374 = vector.shape_cast %parallel_loop3A_365 : vector<16xf32> to vector<1x1x16xf32>
          tpu.vector_store %arg7[%parallel_loop3A_369, %parallel_loop3A_370, %parallel_loop3A_371], %parallel_loop3A_374 {strides = array<i32>} : memref<3x24x512xf32, #tpu.memory_space<vmem>>, vector<1x1x16xf32>,
        } {sc.loop_unroll_factor = 2 : i64, sc.parallel_access}
      } else {
      }
      %mul3A_133 = arith.constant 32 : i32
      %mul3A_134 = arith.muli %add3A_103, %mul3A_133 : i32
      %add3A_135 = arith.addi %add3A, %mul3A_134 : i32
      %lt3A_136 = arith.constant 2084 : i32
      %lt3A_137 = arith.cmpi slt, %add3A_135, %lt3A_136 : i32
      %convert_element_type3A_138 = arith.extui %lt3A_137 : i1 to i32
      %cond3A_139 = arith.constant 0 : i32
      %cond3A_140 = arith.cmpi ne, %convert_element_type3A_138, %cond3A_139 : i32
      scf.if %cond3A_140 {
        %mul3A_202 = arith.constant 32 : i32
        %mul3A_203 = arith.muli %add3A_103, %mul3A_202 : i32
        %add3A_204 = arith.addi %add3A, %mul3A_203 : i32
        %mul3A_205 = arith.constant 24 : i32
        %mul3A_206 = arith.muli %add3A_204, %mul3A_205 : i32
        %min3A = arith.constant 49976 : i32
        %min3A_207 = arith.minsi %mul3A_206, %min3A : i32
        %dma_start3A = arith.constant 1 : i32
        %dma_start3A_208 = arith.constant 1 : i32
        %dma_start3A_209 = arith.constant 0 : i32
        %dma_start3A_210 = arith.constant 0 : i32
        %dma_start3A_211 = tpu.memref_slice %arg7[%dma_start3A, %dma_start3A_209, %dma_start3A_210] : memref<3x24x512xf32, #tpu.memory_space<vmem>> -> memref<1x24x512xf32, #tpu.memory_space<vmem>>
        %dma_start3A_212 = tpu.memref_squeeze %dma_start3A_211 : memref<1x24x512xf32, #tpu.memory_space<vmem>> -> memref<24x512xf32, #tpu.memory_space<vmem>>
        %dma_start3A_213 = arith.constant 0 : i32
        %dma_start3A_214 = tpu.memref_slice %arg4[%min3A_207, %dma_start3A_213] : memref<50000x512xf32, #tpu.memory_space<hbm>> -> memref<24x512xf32, #tpu.memory_space<hbm>>
        %dma_start3A_215 = tpu.memref_slice %arg10[%dma_start3A_208] : memref<3x!tpu.dma_semaphore, #tpu.memory_space<semaphore_mem>> -> memref<1x!tpu.dma_semaphore, #tpu.memory_space<semaphore_mem>>
        %dma_start3A_216 = tpu.memref_squeeze %dma_start3A_215 : memref<1x!tpu.dma_semaphore, #tpu.memory_space<semaphore_mem>> -> memref<!tpu.dma_semaphore, #tpu.memory_space<semaphore_mem>>
        %dma_start3A_217 = arith.constant 0 : i32
        %dma_start3A_218 = tpu.memref_slice %arg4[%min3A_207, %dma_start3A_217] : memref<50000x512xf32, #tpu.memory_space<hbm>> -> memref<24x512xf32, #tpu.memory_space<hbm>>
        %dma_start3A_219 = arith.constant 0 : i32
        %dma_start3A_220 = arith.constant 0 : i32
        %dma_start3A_221 = tpu.memref_slice %arg7[%dma_start3A, %dma_start3A_219, %dma_start3A_220] : memref<3x24x512xf32, #tpu.memory_space<vmem>> -> memref<1x24x512xf32, #tpu.memory_space<vmem>>
        %dma_start3A_222 = tpu.memref_squeeze %dma_start3A_221 : memref<1x24x512xf32, #tpu.memory_space<vmem>> -> memref<24x512xf32, #tpu.memory_space<vmem>>
        tpu.enqueue_dma source(%dma_start3A_222 : memref<24x512xf32, #tpu.memory_space<vmem>>) target(%dma_start3A_218 : memref<24x512xf32, #tpu.memory_space<hbm>>) target_semaphore(%dma_start3A_216 : memref<!tpu.dma_semaphore, #tpu.memory_space<semaphore_mem>>)
      } else {
      }
      %add3A_141 = arith.constant 3 : i32
      %add3A_142 = arith.addi %add3A_103, %add3A_141 : i32
      %mul3A_143 = arith.constant 32 : i32
      %mul3A_144 = arith.muli %add3A_142, %mul3A_143 : i32
      %add3A_145 = arith.addi %add3A, %mul3A_144 : i32
      %lt3A_146 = arith.constant 2084 : i32
      %lt3A_147 = arith.cmpi slt, %add3A_145, %lt3A_146 : i32
      %convert_element_type3A_148 = arith.extui %lt3A_147 : i1 to i32
      %cond3A_149 = arith.constant 0 : i32
      %cond3A_150 = arith.cmpi ne, %convert_element_type3A_148, %cond3A_149 : i32
      scf.if %cond3A_150 {
        %mul3A_202 = arith.constant 32 : i32
        %mul3A_203 = arith.muli %add3A_142, %mul3A_202 : i32
        %add3A_204 = arith.addi %add3A, %mul3A_203 : i32
        %mul3A_205 = arith.constant 24 : i32
        %mul3A_206 = arith.muli %add3A_204, %mul3A_205 : i32
        %min3A = arith.constant 49976 : i32
        %min3A_207 = arith.minsi %mul3A_206, %min3A : i32
        %dma_start3A = arith.constant 1 : i32
        %dma_start3A_208 = arith.constant 1 : i32
        %dma_start3A_209 = arith.constant 0 : i32
        %dma_start3A_210 = arith.constant 0 : i32
        %dma_start3A_211 = tpu.memref_slice %arg5[%dma_start3A, %dma_start3A_209, %dma_start3A_210] : memref<3x24x512xf32, #tpu.memory_space<vmem>> -> memref<1x24x512xf32, #tpu.memory_space<vmem>>
        %dma_start3A_212 = tpu.memref_squeeze %dma_start3A_211 : memref<1x24x512xf32, #tpu.memory_space<vmem>> -> memref<24x512xf32, #tpu.memory_space<vmem>>
        %dma_start3A_213 = arith.constant 0 : i32
        %dma_start3A_214 = tpu.memref_slice %arg2[%min3A_207, %dma_start3A_213] : memref<50000x512xf32, #tpu.memory_space<hbm>> -> memref<24x512xf32, #tpu.memory_space<hbm>>
        %dma_start3A_215 = tpu.memref_slice %arg8[%dma_start3A_208] : memref<3x!tpu.dma_semaphore, #tpu.memory_space<semaphore_mem>> -> memref<1x!tpu.dma_semaphore, #tpu.memory_space<semaphore_mem>>
        %dma_start3A_216 = tpu.memref_squeeze %dma_start3A_215 : memref<1x!tpu.dma_semaphore, #tpu.memory_space<semaphore_mem>> -> memref<!tpu.dma_semaphore, #tpu.memory_space<semaphore_mem>>
        %dma_start3A_217 = arith.constant 0 : i32
        %dma_start3A_218 = arith.constant 0 : i32
        %dma_start3A_219 = tpu.memref_slice %arg5[%dma_start3A, %dma_start3A_217, %dma_start3A_218] : memref<3x24x512xf32, #tpu.memory_space<vmem>> -> memref<1x24x512xf32, #tpu.memory_space<vmem>>
        %dma_start3A_220 = tpu.memref_squeeze %dma_start3A_219 : memref<1x24x512xf32, #tpu.memory_space<vmem>> -> memref<24x512xf32, #tpu.memory_space<vmem>>
        %dma_start3A_221 = arith.constant 0 : i32
        %dma_start3A_222 = tpu.memref_slice %arg2[%min3A_207, %dma_start3A_221] : memref<50000x512xf32, #tpu.memory_space<hbm>> -> memref<24x512xf32, #tpu.memory_space<hbm>>
        tpu.enqueue_dma source(%dma_start3A_222 : memref<24x512xf32, #tpu.memory_space<hbm>>) target(%dma_start3A_220 : memref<24x512xf32, #tpu.memory_space<vmem>>) target_semaphore(%dma_start3A_216 : memref<!tpu.dma_semaphore, #tpu.memory_space<semaphore_mem>>)
        %dma_start3A_223 = arith.constant 1 : i32
        %dma_start3A_224 = arith.constant 1 : i32
        %dma_start3A_225 = arith.constant 0 : i32
        %dma_start3A_226 = arith.constant 0 : i32
        %dma_start3A_227 = tpu.memref_slice %arg6[%dma_start3A_223, %dma_start3A_225, %dma_start3A_226] : memref<3x24x384xf32, #tpu.memory_space<vmem>> -> memref<1x24x384xf32, #tpu.memory_space<vmem>>
        %dma_start3A_228 = tpu.memref_squeeze %dma_start3A_227 : memref<1x24x384xf32, #tpu.memory_space<vmem>> -> memref<24x384xf32, #tpu.memory_space<vmem>>
        %dma_start3A_229 = arith.constant 0 : i32
        %dma_start3A_230 = tpu.memref_slice %arg3[%min3A_207, %dma_start3A_229] : memref<50000x384xf32, #tpu.memory_space<hbm>> -> memref<24x384xf32, #tpu.memory_space<hbm>>
        %dma_start3A_231 = tpu.memref_slice %arg9[%dma_start3A_224] : memref<3x!tpu.dma_semaphore, #tpu.memory_space<semaphore_mem>> -> memref<1x!tpu.dma_semaphore, #tpu.memory_space<semaphore_mem>>
        %dma_start3A_232 = tpu.memref_squeeze %dma_start3A_231 : memref<1x!tpu.dma_semaphore, #tpu.memory_space<semaphore_mem>> -> memref<!tpu.dma_semaphore, #tpu.memory_space<semaphore_mem>>
        %dma_start3A_233 = arith.constant 0 : i32
        %dma_start3A_234 = arith.constant 0 : i32
        %dma_start3A_235 = tpu.memref_slice %arg6[%dma_start3A_223, %dma_start3A_233, %dma_start3A_234] : memref<3x24x384xf32, #tpu.memory_space<vmem>> -> memref<1x24x384xf32, #tpu.memory_space<vmem>>
        %dma_start3A_236 = tpu.memref_squeeze %dma_start3A_235 : memref<1x24x384xf32, #tpu.memory_space<vmem>> -> memref<24x384xf32, #tpu.memory_space<vmem>>
        %dma_start3A_237 = arith.constant 0 : i32
        %dma_start3A_238 = tpu.memref_slice %arg3[%min3A_207, %dma_start3A_237] : memref<50000x384xf32, #tpu.memory_space<hbm>> -> memref<24x384xf32, #tpu.memory_space<hbm>>
        tpu.enqueue_dma source(%dma_start3A_238 : memref<24x384xf32, #tpu.memory_space<hbm>>) target(%dma_start3A_236 : memref<24x384xf32, #tpu.memory_space<vmem>>) target_semaphore(%dma_start3A_232 : memref<!tpu.dma_semaphore, #tpu.memory_space<semaphore_mem>>)
      } else {
      }
      %mul3A_151 = arith.constant 3 : i32
      %mul3A_152 = arith.muli %mul3A_151, %scan3A_50 : i32
      %add3A_153 = arith.constant 2 : i32
      %add3A_154 = arith.addi %mul3A_152, %add3A_153 : i32
      %mul3A_155 = arith.constant 32 : i32
      %mul3A_156 = arith.muli %add3A_154, %mul3A_155 : i32
      %add3A_157 = arith.addi %add3A, %mul3A_156 : i32
      %lt3A_158 = arith.constant 2084 : i32
      %lt3A_159 = arith.cmpi slt, %add3A_157, %lt3A_158 : i32
      %convert_element_type3A_160 = arith.extui %lt3A_159 : i1 to i32
      %cond3A_161 = arith.constant 0 : i32
      %cond3A_162 = arith.cmpi ne, %convert_element_type3A_160, %cond3A_161 : i32
      scf.if %cond3A_162 {
        %dma_wait3A = arith.constant 2 : i32
        %dma_wait3A_202 = arith.constant 2 : i32
        %dma_wait3A_203 = arith.constant 0 : i32
        %dma_wait3A_204 = arith.constant 0 : i32
        %dma_wait3A_205 = tpu.memref_slice %arg5[%dma_wait3A, %dma_wait3A_203, %dma_wait3A_204] : memref<3x24x512xf32, #tpu.memory_space<vmem>> -> memref<1x24x512xf32, #tpu.memory_space<vmem>>
        %dma_wait3A_206 = tpu.memref_squeeze %dma_wait3A_205 : memref<1x24x512xf32, #tpu.memory_space<vmem>> -> memref<24x512xf32, #tpu.memory_space<vmem>>
        %dma_wait3A_207 = arith.constant 0 : i32
        %dma_wait3A_208 = arith.constant 0 : i32
        %dma_wait3A_209 = tpu.memref_slice %arg2[%dma_wait3A_207, %dma_wait3A_208] : memref<50000x512xf32, #tpu.memory_space<hbm>> -> memref<24x512xf32, #tpu.memory_space<hbm>>
        %dma_wait3A_210 = tpu.memref_slice %arg8[%dma_wait3A_202] : memref<3x!tpu.dma_semaphore, #tpu.memory_space<semaphore_mem>> -> memref<1x!tpu.dma_semaphore, #tpu.memory_space<semaphore_mem>>
        %dma_wait3A_211 = tpu.memref_squeeze %dma_wait3A_210 : memref<1x!tpu.dma_semaphore, #tpu.memory_space<semaphore_mem>> -> memref<!tpu.dma_semaphore, #tpu.memory_space<semaphore_mem>>
        %dma_wait3A_212 = arith.constant 0 : i32
        %dma_wait3A_213 = arith.constant 0 : i32
        %dma_wait3A_214 = tpu.memref_slice %arg5[%dma_wait3A, %dma_wait3A_212, %dma_wait3A_213] : memref<3x24x512xf32, #tpu.memory_space<vmem>> -> memref<1x24x512xf32, #tpu.memory_space<vmem>>
        %dma_wait3A_215 = tpu.memref_squeeze %dma_wait3A_214 : memref<1x24x512xf32, #tpu.memory_space<vmem>> -> memref<24x512xf32, #tpu.memory_space<vmem>>
        %dma_wait3A_216 = arith.constant 0 : i32
        %dma_wait3A_217 = arith.constant 0 : i32
        %dma_wait3A_218 = tpu.memref_slice %arg2[%dma_wait3A_216, %dma_wait3A_217] : memref<50000x512xf32, #tpu.memory_space<hbm>> -> memref<24x512xf32, #tpu.memory_space<hbm>>
        tpu.wait_dma2 semaphore(%dma_wait3A_211 : memref<!tpu.dma_semaphore, #tpu.memory_space<semaphore_mem>>) src(%dma_wait3A_218 : memref<24x512xf32, #tpu.memory_space<hbm>>) dst(%dma_wait3A_215 : memref<24x512xf32, #tpu.memory_space<vmem>>)
        %dma_wait3A_219 = arith.constant 2 : i32
        %dma_wait3A_220 = arith.constant 2 : i32
        %dma_wait3A_221 = arith.constant 0 : i32
        %dma_wait3A_222 = arith.constant 0 : i32
        %dma_wait3A_223 = tpu.memref_slice %arg6[%dma_wait3A_219, %dma_wait3A_221, %dma_wait3A_222] : memref<3x24x384xf32, #tpu.memory_space<vmem>> -> memref<1x24x384xf32, #tpu.memory_space<vmem>>
        %dma_wait3A_224 = tpu.memref_squeeze %dma_wait3A_223 : memref<1x24x384xf32, #tpu.memory_space<vmem>> -> memref<24x384xf32, #tpu.memory_space<vmem>>
        %dma_wait3A_225 = arith.constant 0 : i32
        %dma_wait3A_226 = arith.constant 0 : i32
        %dma_wait3A_227 = tpu.memref_slice %arg3[%dma_wait3A_225, %dma_wait3A_226] : memref<50000x384xf32, #tpu.memory_space<hbm>> -> memref<24x384xf32, #tpu.memory_space<hbm>>
        %dma_wait3A_228 = tpu.memref_slice %arg9[%dma_wait3A_220] : memref<3x!tpu.dma_semaphore, #tpu.memory_space<semaphore_mem>> -> memref<1x!tpu.dma_semaphore, #tpu.memory_space<semaphore_mem>>
        %dma_wait3A_229 = tpu.memref_squeeze %dma_wait3A_228 : memref<1x!tpu.dma_semaphore, #tpu.memory_space<semaphore_mem>> -> memref<!tpu.dma_semaphore, #tpu.memory_space<semaphore_mem>>
        %dma_wait3A_230 = arith.constant 0 : i32
        %dma_wait3A_231 = arith.constant 0 : i32
        %dma_wait3A_232 = tpu.memref_slice %arg6[%dma_wait3A_219, %dma_wait3A_230, %dma_wait3A_231] : memref<3x24x384xf32, #tpu.memory_space<vmem>> -> memref<1x24x384xf32, #tpu.memory_space<vmem>>
        %dma_wait3A_233 = tpu.memref_squeeze %dma_wait3A_232 : memref<1x24x384xf32, #tpu.memory_space<vmem>> -> memref<24x384xf32, #tpu.memory_space<vmem>>
        %dma_wait3A_234 = arith.constant 0 : i32
        %dma_wait3A_235 = arith.constant 0 : i32
        %dma_wait3A_236 = tpu.memref_slice %arg3[%dma_wait3A_234, %dma_wait3A_235] : memref<50000x384xf32, #tpu.memory_space<hbm>> -> memref<24x384xf32, #tpu.memory_space<hbm>>
        tpu.wait_dma2 semaphore(%dma_wait3A_229 : memref<!tpu.dma_semaphore, #tpu.memory_space<semaphore_mem>>) src(%dma_wait3A_236 : memref<24x384xf32, #tpu.memory_space<hbm>>) dst(%dma_wait3A_233 : memref<24x384xf32, #tpu.memory_space<vmem>>)
      } else {
      }
      %sub3A_163 = arith.constant 3 : i32
      %sub3A_164 = arith.subi %add3A_154, %sub3A_163 : i32
      %ge3A_165 = arith.constant 0 : i32
      %ge3A_166 = arith.cmpi sge, %sub3A_164, %ge3A_165 : i32
      %mul3A_167 = arith.constant 32 : i32
      %mul3A_168 = arith.muli %sub3A_164, %mul3A_167 : i32
      %add3A_169 = arith.addi %add3A, %mul3A_168 : i32
      %lt3A_170 = arith.constant 2084 : i32
      %lt3A_171 = arith.cmpi slt, %add3A_169, %lt3A_170 : i32
      %and3A_172 = arith.andi %ge3A_166, %lt3A_171 : i1
      %convert_element_type3A_173 = arith.extui %and3A_172 : i1 to i32
      %cond3A_174 = arith.constant 0 : i32
      %cond3A_175 = arith.cmpi ne, %convert_element_type3A_173, %cond3A_174 : i32
      scf.if %cond3A_175 {
        %dma_wait3A = arith.constant 2 : i32
        %dma_wait3A_202 = arith.constant 2 : i32
        %dma_wait3A_203 = arith.constant 0 : i32
        %dma_wait3A_204 = arith.constant 0 : i32
        %dma_wait3A_205 = tpu.memref_slice %arg7[%dma_wait3A, %dma_wait3A_203, %dma_wait3A_204] : memref<3x24x512xf32, #tpu.memory_space<vmem>> -> memref<1x24x512xf32, #tpu.memory_space<vmem>>
        %dma_wait3A_206 = tpu.memref_squeeze %dma_wait3A_205 : memref<1x24x512xf32, #tpu.memory_space<vmem>> -> memref<24x512xf32, #tpu.memory_space<vmem>>
        %dma_wait3A_207 = arith.constant 0 : i32
        %dma_wait3A_208 = arith.constant 0 : i32
        %dma_wait3A_209 = tpu.memref_slice %arg4[%dma_wait3A_207, %dma_wait3A_208] : memref<50000x512xf32, #tpu.memory_space<hbm>> -> memref<24x512xf32, #tpu.memory_space<hbm>>
        %dma_wait3A_210 = tpu.memref_slice %arg10[%dma_wait3A_202] : memref<3x!tpu.dma_semaphore, #tpu.memory_space<semaphore_mem>> -> memref<1x!tpu.dma_semaphore, #tpu.memory_space<semaphore_mem>>
        %dma_wait3A_211 = tpu.memref_squeeze %dma_wait3A_210 : memref<1x!tpu.dma_semaphore, #tpu.memory_space<semaphore_mem>> -> memref<!tpu.dma_semaphore, #tpu.memory_space<semaphore_mem>>
        %dma_wait3A_212 = arith.constant 0 : i32
        %dma_wait3A_213 = arith.constant 0 : i32
        %dma_wait3A_214 = tpu.memref_slice %arg4[%dma_wait3A_212, %dma_wait3A_213] : memref<50000x512xf32, #tpu.memory_space<hbm>> -> memref<24x512xf32, #tpu.memory_space<hbm>>
        %dma_wait3A_215 = arith.constant 0 : i32
        %dma_wait3A_216 = arith.constant 0 : i32
        %dma_wait3A_217 = tpu.memref_slice %arg7[%dma_wait3A, %dma_wait3A_215, %dma_wait3A_216] : memref<3x24x512xf32, #tpu.memory_space<vmem>> -> memref<1x24x512xf32, #tpu.memory_space<vmem>>
        %dma_wait3A_218 = tpu.memref_squeeze %dma_wait3A_217 : memref<1x24x512xf32, #tpu.memory_space<vmem>> -> memref<24x512xf32, #tpu.memory_space<vmem>>
        tpu.wait_dma2 semaphore(%dma_wait3A_211 : memref<!tpu.dma_semaphore, #tpu.memory_space<semaphore_mem>>) src(%dma_wait3A_218 : memref<24x512xf32, #tpu.memory_space<vmem>>) dst(%dma_wait3A_214 : memref<24x512xf32, #tpu.memory_space<hbm>>)
      } else {
      }
      %mul3A_176 = arith.constant 32 : i32
      %mul3A_177 = arith.muli %add3A_154, %mul3A_176 : i32
      %add3A_178 = arith.addi %add3A, %mul3A_177 : i32
      %lt3A_179 = arith.constant 2084 : i32
      %lt3A_180 = arith.cmpi slt, %add3A_178, %lt3A_179 : i32
      %convert_element_type3A_181 = arith.extui %lt3A_180 : i1 to i32
      %cond3A_182 = arith.constant 0 : i32
      %cond3A_183 = arith.cmpi ne, %convert_element_type3A_181, %cond3A_182 : i32
      scf.if %cond3A_183 {
        %parallel_loop3A = arith.constant 0 : i32
        %parallel_loop3A_202 = arith.constant 192 : i32
        %parallel_loop3A_203 = arith.constant 1 : i32
        scf.for %parallel_loop3A_204 = %parallel_loop3A to %parallel_loop3A_202 step %parallel_loop3A_203  : i32 {
          %parallel_loop3A_205 = arith.constant 8 : i32
          %parallel_loop3A_206 = arith.divsi %parallel_loop3A_204, %parallel_loop3A_205 : i32
          %parallel_loop3A_207 = arith.constant 0 : i32
          %parallel_loop3A_208 = arith.cmpi sgt, %parallel_loop3A_204, %parallel_loop3A_207 : i32
          %parallel_loop3A_209 = arith.extui %parallel_loop3A_208 : i1 to i32
          %parallel_loop3A_210 = arith.constant 0 : i32
          %parallel_loop3A_211 = arith.cmpi slt, %parallel_loop3A_204, %parallel_loop3A_210 : i32
          %parallel_loop3A_212 = arith.extui %parallel_loop3A_211 : i1 to i32
          %parallel_loop3A_213 = arith.subi %parallel_loop3A_209, %parallel_loop3A_212 : i32
          %parallel_loop3A_214 = arith.constant 0 : i32
          %parallel_loop3A_215 = arith.cmpi sgt, %parallel_loop3A_205, %parallel_loop3A_214 : i32
          %parallel_loop3A_216 = arith.extui %parallel_loop3A_215 : i1 to i32
          %parallel_loop3A_217 = arith.constant 0 : i32
          %parallel_loop3A_218 = arith.cmpi slt, %parallel_loop3A_205, %parallel_loop3A_217 : i32
          %parallel_loop3A_219 = arith.extui %parallel_loop3A_218 : i1 to i32
          %parallel_loop3A_220 = arith.subi %parallel_loop3A_216, %parallel_loop3A_219 : i32
          %parallel_loop3A_221 = arith.cmpi ne, %parallel_loop3A_213, %parallel_loop3A_220 : i32
          %parallel_loop3A_222 = arith.remsi %parallel_loop3A_204, %parallel_loop3A_205 : i32
          %parallel_loop3A_223 = arith.constant 0 : i32
          %parallel_loop3A_224 = arith.cmpi ne, %parallel_loop3A_222, %parallel_loop3A_223 : i32
          %parallel_loop3A_225 = arith.andi %parallel_loop3A_221, %parallel_loop3A_224 : i1
          %parallel_loop3A_226 = arith.constant 1 : i32
          %parallel_loop3A_227 = arith.subi %parallel_loop3A_206, %parallel_loop3A_226 : i32
          %parallel_loop3A_228 = arith.select %parallel_loop3A_225, %parallel_loop3A_227, %parallel_loop3A_206 : i32
          %parallel_loop3A_229 = arith.constant 8 : i32
          %parallel_loop3A_230 = arith.constant 0 : i32
          %parallel_loop3A_231 = arith.cmpi eq, %parallel_loop3A_229, %parallel_loop3A_230 : i32
          %parallel_loop3A_232 = arith.constant 1 : i32
          %parallel_loop3A_233 = arith.select %parallel_loop3A_231, %parallel_loop3A_232, %parallel_loop3A_229 : i32
          %parallel_loop3A_234 = arith.remsi %parallel_loop3A_204, %parallel_loop3A_233 : i32
          %parallel_loop3A_235 = arith.constant 0 : i32
          %parallel_loop3A_236 = arith.cmpi ne, %parallel_loop3A_234, %parallel_loop3A_235 : i32
          %parallel_loop3A_237 = arith.constant 0 : i32
          %parallel_loop3A_238 = arith.cmpi slt, %parallel_loop3A_234, %parallel_loop3A_237 : i32
          %parallel_loop3A_239 = arith.constant 0 : i32
          %parallel_loop3A_240 = arith.cmpi slt, %parallel_loop3A_233, %parallel_loop3A_239 : i32
          %parallel_loop3A_241 = arith.xori %parallel_loop3A_238, %parallel_loop3A_240 : i1
          %parallel_loop3A_242 = arith.andi %parallel_loop3A_241, %parallel_loop3A_236 : i1
          %parallel_loop3A_243 = arith.addi %parallel_loop3A_234, %parallel_loop3A_233 : i32
          %parallel_loop3A_244 = arith.select %parallel_loop3A_242, %parallel_loop3A_243, %parallel_loop3A_234 : i32
          %parallel_loop3A_245 = arith.constant 16 : i32
          %parallel_loop3A_246 = arith.muli %parallel_loop3A_244, %parallel_loop3A_245 : i32
          %parallel_loop3A_247 = arith.constant 0 : i32
          %parallel_loop3A_248 = arith.addi %parallel_loop3A_247, %parallel_loop3A_246 : i32
          %parallel_loop3A_249 = arith.constant 2 : i32
          %parallel_loop3A_250 = arith.index_cast %parallel_loop3A_249 : i32 to index
          %parallel_loop3A_251 = arith.index_cast %parallel_loop3A_228 : i32 to index
          %parallel_loop3A_252 = arith.index_cast %parallel_loop3A_248 : i32 to index
          %parallel_loop3A_253 = tpu.vector_load %arg5[%parallel_loop3A_250, %parallel_loop3A_251, %parallel_loop3A_252] {strides = array<i32>} : memref<3x24x512xf32, #tpu.memory_space<vmem>>, vector<1x1x16xf32>,
          %parallel_loop3A_254 = vector.shape_cast %parallel_loop3A_253 : vector<1x1x16xf32> to vector<16xf32>
          %parallel_loop3A_255 = arith.constant 128 : i32
          %parallel_loop3A_256 = arith.addi %parallel_loop3A_255, %parallel_loop3A_246 : i32
          %parallel_loop3A_257 = arith.constant 2 : i32
          %parallel_loop3A_258 = arith.index_cast %parallel_loop3A_257 : i32 to index
          %parallel_loop3A_259 = arith.index_cast %parallel_loop3A_228 : i32 to index
          %parallel_loop3A_260 = arith.index_cast %parallel_loop3A_256 : i32 to index
          %parallel_loop3A_261 = tpu.vector_load %arg5[%parallel_loop3A_258, %parallel_loop3A_259, %parallel_loop3A_260] {strides = array<i32>} : memref<3x24x512xf32, #tpu.memory_space<vmem>>, vector<1x1x16xf32>,
          %parallel_loop3A_262 = vector.shape_cast %parallel_loop3A_261 : vector<1x1x16xf32> to vector<16xf32>
          %parallel_loop3A_263 = arith.constant 256 : i32
          %parallel_loop3A_264 = arith.addi %parallel_loop3A_263, %parallel_loop3A_246 : i32
          %parallel_loop3A_265 = arith.constant 2 : i32
          %parallel_loop3A_266 = arith.index_cast %parallel_loop3A_265 : i32 to index
          %parallel_loop3A_267 = arith.index_cast %parallel_loop3A_228 : i32 to index
          %parallel_loop3A_268 = arith.index_cast %parallel_loop3A_264 : i32 to index
          %parallel_loop3A_269 = tpu.vector_load %arg5[%parallel_loop3A_266, %parallel_loop3A_267, %parallel_loop3A_268] {strides = array<i32>} : memref<3x24x512xf32, #tpu.memory_space<vmem>>, vector<1x1x16xf32>,
          %parallel_loop3A_270 = vector.shape_cast %parallel_loop3A_269 : vector<1x1x16xf32> to vector<16xf32>
          %parallel_loop3A_271 = arith.constant 384 : i32
          %parallel_loop3A_272 = arith.addi %parallel_loop3A_271, %parallel_loop3A_246 : i32
          %parallel_loop3A_273 = arith.constant 2 : i32
          %parallel_loop3A_274 = arith.index_cast %parallel_loop3A_273 : i32 to index
          %parallel_loop3A_275 = arith.index_cast %parallel_loop3A_228 : i32 to index
          %parallel_loop3A_276 = arith.index_cast %parallel_loop3A_272 : i32 to index
          %parallel_loop3A_277 = tpu.vector_load %arg5[%parallel_loop3A_274, %parallel_loop3A_275, %parallel_loop3A_276] {strides = array<i32>} : memref<3x24x512xf32, #tpu.memory_space<vmem>>, vector<1x1x16xf32>,
          %parallel_loop3A_278 = vector.shape_cast %parallel_loop3A_277 : vector<1x1x16xf32> to vector<16xf32>
          %parallel_loop3A_279 = arith.constant 0 : i32
          %parallel_loop3A_280 = arith.addi %parallel_loop3A_279, %parallel_loop3A_246 : i32
          %parallel_loop3A_281 = arith.constant 2 : i32
          %parallel_loop3A_282 = arith.index_cast %parallel_loop3A_281 : i32 to index
          %parallel_loop3A_283 = arith.index_cast %parallel_loop3A_228 : i32 to index
          %parallel_loop3A_284 = arith.index_cast %parallel_loop3A_280 : i32 to index
          %parallel_loop3A_285 = tpu.vector_load %arg6[%parallel_loop3A_282, %parallel_loop3A_283, %parallel_loop3A_284] {strides = array<i32>} : memref<3x24x384xf32, #tpu.memory_space<vmem>>, vector<1x1x16xf32>,
          %parallel_loop3A_286 = vector.shape_cast %parallel_loop3A_285 : vector<1x1x16xf32> to vector<16xf32>
          %parallel_loop3A_287 = arith.constant 128 : i32
          %parallel_loop3A_288 = arith.addi %parallel_loop3A_287, %parallel_loop3A_246 : i32
          %parallel_loop3A_289 = arith.constant 2 : i32
          %parallel_loop3A_290 = arith.index_cast %parallel_loop3A_289 : i32 to index
          %parallel_loop3A_291 = arith.index_cast %parallel_loop3A_228 : i32 to index
          %parallel_loop3A_292 = arith.index_cast %parallel_loop3A_288 : i32 to index
          %parallel_loop3A_293 = tpu.vector_load %arg6[%parallel_loop3A_290, %parallel_loop3A_291, %parallel_loop3A_292] {strides = array<i32>} : memref<3x24x384xf32, #tpu.memory_space<vmem>>, vector<1x1x16xf32>,
          %parallel_loop3A_294 = vector.shape_cast %parallel_loop3A_293 : vector<1x1x16xf32> to vector<16xf32>
          %parallel_loop3A_295 = arith.constant 256 : i32
          %parallel_loop3A_296 = arith.addi %parallel_loop3A_295, %parallel_loop3A_246 : i32
          %parallel_loop3A_297 = arith.constant 2 : i32
          %parallel_loop3A_298 = arith.index_cast %parallel_loop3A_297 : i32 to index
          %parallel_loop3A_299 = arith.index_cast %parallel_loop3A_228 : i32 to index
          %parallel_loop3A_300 = arith.index_cast %parallel_loop3A_296 : i32 to index
          %parallel_loop3A_301 = tpu.vector_load %arg6[%parallel_loop3A_298, %parallel_loop3A_299, %parallel_loop3A_300] {strides = array<i32>} : memref<3x24x384xf32, #tpu.memory_space<vmem>>, vector<1x1x16xf32>,
          %parallel_loop3A_302 = vector.shape_cast %parallel_loop3A_301 : vector<1x1x16xf32> to vector<16xf32>
          %parallel_loop3A_303 = arith.mulf %parallel_loop3A_254, %parallel_loop3A_286 : vector<16xf32>
          %parallel_loop3A_304 = arith.constant 1.000000e+00 : f32
          %parallel_loop3A_305 = vector.broadcast %parallel_loop3A_304 : f32 to vector<16xf32>
          %parallel_loop3A_306 = arith.mulf %parallel_loop3A_305, %parallel_loop3A_303 : vector<16xf32>
          %parallel_loop3A_307 = arith.mulf %parallel_loop3A_278, %parallel_loop3A_294 : vector<16xf32>
          %parallel_loop3A_308 = arith.constant 4.000000e-01 : f32
          %parallel_loop3A_309 = vector.broadcast %parallel_loop3A_308 : f32 to vector<16xf32>
          %parallel_loop3A_310 = arith.mulf %parallel_loop3A_309, %parallel_loop3A_307 : vector<16xf32>
          %parallel_loop3A_311 = arith.addf %parallel_loop3A_306, %parallel_loop3A_310 : vector<16xf32>
          %parallel_loop3A_312 = arith.constant 0 : i32
          %parallel_loop3A_313 = arith.addi %parallel_loop3A_312, %parallel_loop3A_246 : i32
          %parallel_loop3A_314 = arith.constant 2 : i32
          %parallel_loop3A_315 = arith.index_cast %parallel_loop3A_314 : i32 to index
          %parallel_loop3A_316 = arith.index_cast %parallel_loop3A_228 : i32 to index
          %parallel_loop3A_317 = arith.index_cast %parallel_loop3A_313 : i32 to index
          %parallel_loop3A_318 = tpu.vector_load %arg7[%parallel_loop3A_315, %parallel_loop3A_316, %parallel_loop3A_317] {strides = array<i32>} : memref<3x24x512xf32, #tpu.memory_space<vmem>>, vector<1x1x16xf32>,
          %parallel_loop3A_319 = vector.shape_cast %parallel_loop3A_318 : vector<1x1x16xf32> to vector<16xf32>
          %parallel_loop3A_320 = vector.shape_cast %parallel_loop3A_311 : vector<16xf32> to vector<1x1x16xf32>
          tpu.vector_store %arg7[%parallel_loop3A_315, %parallel_loop3A_316, %parallel_loop3A_317], %parallel_loop3A_320 {strides = array<i32>} : memref<3x24x512xf32, #tpu.memory_space<vmem>>, vector<1x1x16xf32>,
          %parallel_loop3A_321 = arith.mulf %parallel_loop3A_262, %parallel_loop3A_286 : vector<16xf32>
          %parallel_loop3A_322 = arith.constant 5.000000e-01 : f32
          %parallel_loop3A_323 = vector.broadcast %parallel_loop3A_322 : f32 to vector<16xf32>
          %parallel_loop3A_324 = arith.mulf %parallel_loop3A_323, %parallel_loop3A_321 : vector<16xf32>
          %parallel_loop3A_325 = arith.mulf %parallel_loop3A_254, %parallel_loop3A_294 : vector<16xf32>
          %parallel_loop3A_326 = arith.constant 2.000000e-01 : f32
          %parallel_loop3A_327 = vector.broadcast %parallel_loop3A_326 : f32 to vector<16xf32>
          %parallel_loop3A_328 = arith.mulf %parallel_loop3A_327, %parallel_loop3A_325 : vector<16xf32>
          %parallel_loop3A_329 = arith.addf %parallel_loop3A_324, %parallel_loop3A_328 : vector<16xf32>
          %parallel_loop3A_330 = arith.constant 128 : i32
          %parallel_loop3A_331 = arith.addi %parallel_loop3A_330, %parallel_loop3A_246 : i32
          %parallel_loop3A_332 = arith.constant 2 : i32
          %parallel_loop3A_333 = arith.index_cast %parallel_loop3A_332 : i32 to index
          %parallel_loop3A_334 = arith.index_cast %parallel_loop3A_228 : i32 to index
          %parallel_loop3A_335 = arith.index_cast %parallel_loop3A_331 : i32 to index
          %parallel_loop3A_336 = tpu.vector_load %arg7[%parallel_loop3A_333, %parallel_loop3A_334, %parallel_loop3A_335] {strides = array<i32>} : memref<3x24x512xf32, #tpu.memory_space<vmem>>, vector<1x1x16xf32>,
          %parallel_loop3A_337 = vector.shape_cast %parallel_loop3A_336 : vector<1x1x16xf32> to vector<16xf32>
          %parallel_loop3A_338 = vector.shape_cast %parallel_loop3A_329 : vector<16xf32> to vector<1x1x16xf32>
          tpu.vector_store %arg7[%parallel_loop3A_333, %parallel_loop3A_334, %parallel_loop3A_335], %parallel_loop3A_338 {strides = array<i32>} : memref<3x24x512xf32, #tpu.memory_space<vmem>>, vector<1x1x16xf32>,
          %parallel_loop3A_339 = arith.mulf %parallel_loop3A_270, %parallel_loop3A_294 : vector<16xf32>
          %parallel_loop3A_340 = arith.constant -3.000000e-01 : f32
          %parallel_loop3A_341 = vector.broadcast %parallel_loop3A_340 : f32 to vector<16xf32>
          %parallel_loop3A_342 = arith.mulf %parallel_loop3A_341, %parallel_loop3A_339 : vector<16xf32>
          %parallel_loop3A_343 = arith.mulf %parallel_loop3A_262, %parallel_loop3A_302 : vector<16xf32>
          %parallel_loop3A_344 = arith.constant 1.100000e+00 : f32
          %parallel_loop3A_345 = vector.broadcast %parallel_loop3A_344 : f32 to vector<16xf32>
          %parallel_loop3A_346 = arith.mulf %parallel_loop3A_345, %parallel_loop3A_343 : vector<16xf32>
          %parallel_loop3A_347 = arith.addf %parallel_loop3A_342, %parallel_loop3A_346 : vector<16xf32>
          %parallel_loop3A_348 = arith.constant 256 : i32
          %parallel_loop3A_349 = arith.addi %parallel_loop3A_348, %parallel_loop3A_246 : i32
          %parallel_loop3A_350 = arith.constant 2 : i32
          %parallel_loop3A_351 = arith.index_cast %parallel_loop3A_350 : i32 to index
          %parallel_loop3A_352 = arith.index_cast %parallel_loop3A_228 : i32 to index
          %parallel_loop3A_353 = arith.index_cast %parallel_loop3A_349 : i32 to index
          %parallel_loop3A_354 = tpu.vector_load %arg7[%parallel_loop3A_351, %parallel_loop3A_352, %parallel_loop3A_353] {strides = array<i32>} : memref<3x24x512xf32, #tpu.memory_space<vmem>>, vector<1x1x16xf32>,
          %parallel_loop3A_355 = vector.shape_cast %parallel_loop3A_354 : vector<1x1x16xf32> to vector<16xf32>
          %parallel_loop3A_356 = vector.shape_cast %parallel_loop3A_347 : vector<16xf32> to vector<1x1x16xf32>
          tpu.vector_store %arg7[%parallel_loop3A_351, %parallel_loop3A_352, %parallel_loop3A_353], %parallel_loop3A_356 {strides = array<i32>} : memref<3x24x512xf32, #tpu.memory_space<vmem>>, vector<1x1x16xf32>,
          %parallel_loop3A_357 = arith.mulf %parallel_loop3A_278, %parallel_loop3A_302 : vector<16xf32>
          %parallel_loop3A_358 = arith.constant 0.699999988 : f32
          %parallel_loop3A_359 = vector.broadcast %parallel_loop3A_358 : f32 to vector<16xf32>
          %parallel_loop3A_360 = arith.mulf %parallel_loop3A_359, %parallel_loop3A_357 : vector<16xf32>
          %parallel_loop3A_361 = arith.mulf %parallel_loop3A_270, %parallel_loop3A_286 : vector<16xf32>
          %parallel_loop3A_362 = arith.constant -0.899999976 : f32
          %parallel_loop3A_363 = vector.broadcast %parallel_loop3A_362 : f32 to vector<16xf32>
          %parallel_loop3A_364 = arith.mulf %parallel_loop3A_363, %parallel_loop3A_361 : vector<16xf32>
          %parallel_loop3A_365 = arith.addf %parallel_loop3A_360, %parallel_loop3A_364 : vector<16xf32>
          %parallel_loop3A_366 = arith.constant 384 : i32
          %parallel_loop3A_367 = arith.addi %parallel_loop3A_366, %parallel_loop3A_246 : i32
          %parallel_loop3A_368 = arith.constant 2 : i32
          %parallel_loop3A_369 = arith.index_cast %parallel_loop3A_368 : i32 to index
          %parallel_loop3A_370 = arith.index_cast %parallel_loop3A_228 : i32 to index
          %parallel_loop3A_371 = arith.index_cast %parallel_loop3A_367 : i32 to index
          %parallel_loop3A_372 = tpu.vector_load %arg7[%parallel_loop3A_369, %parallel_loop3A_370, %parallel_loop3A_371] {strides = array<i32>} : memref<3x24x512xf32, #tpu.memory_space<vmem>>, vector<1x1x16xf32>,
          %parallel_loop3A_373 = vector.shape_cast %parallel_loop3A_372 : vector<1x1x16xf32> to vector<16xf32>
          %parallel_loop3A_374 = vector.shape_cast %parallel_loop3A_365 : vector<16xf32> to vector<1x1x16xf32>
          tpu.vector_store %arg7[%parallel_loop3A_369, %parallel_loop3A_370, %parallel_loop3A_371], %parallel_loop3A_374 {strides = array<i32>} : memref<3x24x512xf32, #tpu.memory_space<vmem>>, vector<1x1x16xf32>,
        } {sc.loop_unroll_factor = 2 : i64, sc.parallel_access}
      } else {
      }
      %mul3A_184 = arith.constant 32 : i32
      %mul3A_185 = arith.muli %add3A_154, %mul3A_184 : i32
      %add3A_186 = arith.addi %add3A, %mul3A_185 : i32
      %lt3A_187 = arith.constant 2084 : i32
      %lt3A_188 = arith.cmpi slt, %add3A_186, %lt3A_187 : i32
      %convert_element_type3A_189 = arith.extui %lt3A_188 : i1 to i32
      %cond3A_190 = arith.constant 0 : i32
      %cond3A_191 = arith.cmpi ne, %convert_element_type3A_189, %cond3A_190 : i32
      scf.if %cond3A_191 {
        %mul3A_202 = arith.constant 32 : i32
        %mul3A_203 = arith.muli %add3A_154, %mul3A_202 : i32
        %add3A_204 = arith.addi %add3A, %mul3A_203 : i32
        %mul3A_205 = arith.constant 24 : i32
        %mul3A_206 = arith.muli %add3A_204, %mul3A_205 : i32
        %min3A = arith.constant 49976 : i32
        %min3A_207 = arith.minsi %mul3A_206, %min3A : i32
        %dma_start3A = arith.constant 2 : i32
        %dma_start3A_208 = arith.constant 2 : i32
        %dma_start3A_209 = arith.constant 0 : i32
        %dma_start3A_210 = arith.constant 0 : i32
        %dma_start3A_211 = tpu.memref_slice %arg7[%dma_start3A, %dma_start3A_209, %dma_start3A_210] : memref<3x24x512xf32, #tpu.memory_space<vmem>> -> memref<1x24x512xf32, #tpu.memory_space<vmem>>
        %dma_start3A_212 = tpu.memref_squeeze %dma_start3A_211 : memref<1x24x512xf32, #tpu.memory_space<vmem>> -> memref<24x512xf32, #tpu.memory_space<vmem>>
        %dma_start3A_213 = arith.constant 0 : i32
        %dma_start3A_214 = tpu.memref_slice %arg4[%min3A_207, %dma_start3A_213] : memref<50000x512xf32, #tpu.memory_space<hbm>> -> memref<24x512xf32, #tpu.memory_space<hbm>>
        %dma_start3A_215 = tpu.memref_slice %arg10[%dma_start3A_208] : memref<3x!tpu.dma_semaphore, #tpu.memory_space<semaphore_mem>> -> memref<1x!tpu.dma_semaphore, #tpu.memory_space<semaphore_mem>>
        %dma_start3A_216 = tpu.memref_squeeze %dma_start3A_215 : memref<1x!tpu.dma_semaphore, #tpu.memory_space<semaphore_mem>> -> memref<!tpu.dma_semaphore, #tpu.memory_space<semaphore_mem>>
        %dma_start3A_217 = arith.constant 0 : i32
        %dma_start3A_218 = tpu.memref_slice %arg4[%min3A_207, %dma_start3A_217] : memref<50000x512xf32, #tpu.memory_space<hbm>> -> memref<24x512xf32, #tpu.memory_space<hbm>>
        %dma_start3A_219 = arith.constant 0 : i32
        %dma_start3A_220 = arith.constant 0 : i32
        %dma_start3A_221 = tpu.memref_slice %arg7[%dma_start3A, %dma_start3A_219, %dma_start3A_220] : memref<3x24x512xf32, #tpu.memory_space<vmem>> -> memref<1x24x512xf32, #tpu.memory_space<vmem>>
        %dma_start3A_222 = tpu.memref_squeeze %dma_start3A_221 : memref<1x24x512xf32, #tpu.memory_space<vmem>> -> memref<24x512xf32, #tpu.memory_space<vmem>>
        tpu.enqueue_dma source(%dma_start3A_222 : memref<24x512xf32, #tpu.memory_space<vmem>>) target(%dma_start3A_218 : memref<24x512xf32, #tpu.memory_space<hbm>>) target_semaphore(%dma_start3A_216 : memref<!tpu.dma_semaphore, #tpu.memory_space<semaphore_mem>>)
      } else {
      }
      %add3A_192 = arith.constant 3 : i32
      %add3A_193 = arith.addi %add3A_154, %add3A_192 : i32
      %mul3A_194 = arith.constant 32 : i32
      %mul3A_195 = arith.muli %add3A_193, %mul3A_194 : i32
      %add3A_196 = arith.addi %add3A, %mul3A_195 : i32
      %lt3A_197 = arith.constant 2084 : i32
      %lt3A_198 = arith.cmpi slt, %add3A_196, %lt3A_197 : i32
      %convert_element_type3A_199 = arith.extui %lt3A_198 : i1 to i32
      %cond3A_200 = arith.constant 0 : i32
      %cond3A_201 = arith.cmpi ne, %convert_element_type3A_199, %cond3A_200 : i32
      scf.if %cond3A_201 {
        %mul3A_202 = arith.constant 32 : i32
        %mul3A_203 = arith.muli %add3A_193, %mul3A_202 : i32
        %add3A_204 = arith.addi %add3A, %mul3A_203 : i32
        %mul3A_205 = arith.constant 24 : i32
        %mul3A_206 = arith.muli %add3A_204, %mul3A_205 : i32
        %min3A = arith.constant 49976 : i32
        %min3A_207 = arith.minsi %mul3A_206, %min3A : i32
        %dma_start3A = arith.constant 2 : i32
        %dma_start3A_208 = arith.constant 2 : i32
        %dma_start3A_209 = arith.constant 0 : i32
        %dma_start3A_210 = arith.constant 0 : i32
        %dma_start3A_211 = tpu.memref_slice %arg5[%dma_start3A, %dma_start3A_209, %dma_start3A_210] : memref<3x24x512xf32, #tpu.memory_space<vmem>> -> memref<1x24x512xf32, #tpu.memory_space<vmem>>
        %dma_start3A_212 = tpu.memref_squeeze %dma_start3A_211 : memref<1x24x512xf32, #tpu.memory_space<vmem>> -> memref<24x512xf32, #tpu.memory_space<vmem>>
        %dma_start3A_213 = arith.constant 0 : i32
        %dma_start3A_214 = tpu.memref_slice %arg2[%min3A_207, %dma_start3A_213] : memref<50000x512xf32, #tpu.memory_space<hbm>> -> memref<24x512xf32, #tpu.memory_space<hbm>>
        %dma_start3A_215 = tpu.memref_slice %arg8[%dma_start3A_208] : memref<3x!tpu.dma_semaphore, #tpu.memory_space<semaphore_mem>> -> memref<1x!tpu.dma_semaphore, #tpu.memory_space<semaphore_mem>>
        %dma_start3A_216 = tpu.memref_squeeze %dma_start3A_215 : memref<1x!tpu.dma_semaphore, #tpu.memory_space<semaphore_mem>> -> memref<!tpu.dma_semaphore, #tpu.memory_space<semaphore_mem>>
        %dma_start3A_217 = arith.constant 0 : i32
        %dma_start3A_218 = arith.constant 0 : i32
        %dma_start3A_219 = tpu.memref_slice %arg5[%dma_start3A, %dma_start3A_217, %dma_start3A_218] : memref<3x24x512xf32, #tpu.memory_space<vmem>> -> memref<1x24x512xf32, #tpu.memory_space<vmem>>
        %dma_start3A_220 = tpu.memref_squeeze %dma_start3A_219 : memref<1x24x512xf32, #tpu.memory_space<vmem>> -> memref<24x512xf32, #tpu.memory_space<vmem>>
        %dma_start3A_221 = arith.constant 0 : i32
        %dma_start3A_222 = tpu.memref_slice %arg2[%min3A_207, %dma_start3A_221] : memref<50000x512xf32, #tpu.memory_space<hbm>> -> memref<24x512xf32, #tpu.memory_space<hbm>>
        tpu.enqueue_dma source(%dma_start3A_222 : memref<24x512xf32, #tpu.memory_space<hbm>>) target(%dma_start3A_220 : memref<24x512xf32, #tpu.memory_space<vmem>>) target_semaphore(%dma_start3A_216 : memref<!tpu.dma_semaphore, #tpu.memory_space<semaphore_mem>>)
        %dma_start3A_223 = arith.constant 2 : i32
        %dma_start3A_224 = arith.constant 2 : i32
        %dma_start3A_225 = arith.constant 0 : i32
        %dma_start3A_226 = arith.constant 0 : i32
        %dma_start3A_227 = tpu.memref_slice %arg6[%dma_start3A_223, %dma_start3A_225, %dma_start3A_226] : memref<3x24x384xf32, #tpu.memory_space<vmem>> -> memref<1x24x384xf32, #tpu.memory_space<vmem>>
        %dma_start3A_228 = tpu.memref_squeeze %dma_start3A_227 : memref<1x24x384xf32, #tpu.memory_space<vmem>> -> memref<24x384xf32, #tpu.memory_space<vmem>>
        %dma_start3A_229 = arith.constant 0 : i32
        %dma_start3A_230 = tpu.memref_slice %arg3[%min3A_207, %dma_start3A_229] : memref<50000x384xf32, #tpu.memory_space<hbm>> -> memref<24x384xf32, #tpu.memory_space<hbm>>
        %dma_start3A_231 = tpu.memref_slice %arg9[%dma_start3A_224] : memref<3x!tpu.dma_semaphore, #tpu.memory_space<semaphore_mem>> -> memref<1x!tpu.dma_semaphore, #tpu.memory_space<semaphore_mem>>
        %dma_start3A_232 = tpu.memref_squeeze %dma_start3A_231 : memref<1x!tpu.dma_semaphore, #tpu.memory_space<semaphore_mem>> -> memref<!tpu.dma_semaphore, #tpu.memory_space<semaphore_mem>>
        %dma_start3A_233 = arith.constant 0 : i32
        %dma_start3A_234 = arith.constant 0 : i32
        %dma_start3A_235 = tpu.memref_slice %arg6[%dma_start3A_223, %dma_start3A_233, %dma_start3A_234] : memref<3x24x384xf32, #tpu.memory_space<vmem>> -> memref<1x24x384xf32, #tpu.memory_space<vmem>>
        %dma_start3A_236 = tpu.memref_squeeze %dma_start3A_235 : memref<1x24x384xf32, #tpu.memory_space<vmem>> -> memref<24x384xf32, #tpu.memory_space<vmem>>
        %dma_start3A_237 = arith.constant 0 : i32
        %dma_start3A_238 = tpu.memref_slice %arg3[%min3A_207, %dma_start3A_237] : memref<50000x384xf32, #tpu.memory_space<hbm>> -> memref<24x384xf32, #tpu.memory_space<hbm>>
        tpu.enqueue_dma source(%dma_start3A_238 : memref<24x384xf32, #tpu.memory_space<hbm>>) target(%dma_start3A_236 : memref<24x384xf32, #tpu.memory_space<vmem>>) target_semaphore(%dma_start3A_232 : memref<!tpu.dma_semaphore, #tpu.memory_space<semaphore_mem>>)
      } else {
      }
    }
    %scan3A_23 = arith.constant 22 : i32
    %add3A_24 = arith.constant 2016 : i32
    %add3A_25 = arith.addi %add3A, %add3A_24 : i32
    %lt3A_26 = arith.constant 2084 : i32
    %lt3A_27 = arith.cmpi slt, %add3A_25, %lt3A_26 : i32
    %and3A = arith.constant true
    %and3A_28 = arith.andi %and3A, %lt3A_27 : i1
    %convert_element_type3A_29 = arith.extui %and3A_28 : i1 to i32
    %cond3A_30 = arith.constant 0 : i32
    %cond3A_31 = arith.cmpi ne, %convert_element_type3A_29, %cond3A_30 : i32
    scf.if %cond3A_31 {
      %dma_wait3A = arith.constant 0 : i32
      %dma_wait3A_50 = arith.constant 0 : i32
      %dma_wait3A_51 = arith.constant 0 : i32
      %dma_wait3A_52 = arith.constant 0 : i32
      %dma_wait3A_53 = tpu.memref_slice %arg7[%dma_wait3A, %dma_wait3A_51, %dma_wait3A_52] : memref<3x24x512xf32, #tpu.memory_space<vmem>> -> memref<1x24x512xf32, #tpu.memory_space<vmem>>
      %dma_wait3A_54 = tpu.memref_squeeze %dma_wait3A_53 : memref<1x24x512xf32, #tpu.memory_space<vmem>> -> memref<24x512xf32, #tpu.memory_space<vmem>>
      %dma_wait3A_55 = arith.constant 0 : i32
      %dma_wait3A_56 = arith.constant 0 : i32
      %dma_wait3A_57 = tpu.memref_slice %arg4[%dma_wait3A_55, %dma_wait3A_56] : memref<50000x512xf32, #tpu.memory_space<hbm>> -> memref<24x512xf32, #tpu.memory_space<hbm>>
      %dma_wait3A_58 = tpu.memref_slice %arg10[%dma_wait3A_50] : memref<3x!tpu.dma_semaphore, #tpu.memory_space<semaphore_mem>> -> memref<1x!tpu.dma_semaphore, #tpu.memory_space<semaphore_mem>>
      %dma_wait3A_59 = tpu.memref_squeeze %dma_wait3A_58 : memref<1x!tpu.dma_semaphore, #tpu.memory_space<semaphore_mem>> -> memref<!tpu.dma_semaphore, #tpu.memory_space<semaphore_mem>>
      %dma_wait3A_60 = arith.constant 0 : i32
      %dma_wait3A_61 = arith.constant 0 : i32
      %dma_wait3A_62 = tpu.memref_slice %arg4[%dma_wait3A_60, %dma_wait3A_61] : memref<50000x512xf32, #tpu.memory_space<hbm>> -> memref<24x512xf32, #tpu.memory_space<hbm>>
      %dma_wait3A_63 = arith.constant 0 : i32
      %dma_wait3A_64 = arith.constant 0 : i32
      %dma_wait3A_65 = tpu.memref_slice %arg7[%dma_wait3A, %dma_wait3A_63, %dma_wait3A_64] : memref<3x24x512xf32, #tpu.memory_space<vmem>> -> memref<1x24x512xf32, #tpu.memory_space<vmem>>
      %dma_wait3A_66 = tpu.memref_squeeze %dma_wait3A_65 : memref<1x24x512xf32, #tpu.memory_space<vmem>> -> memref<24x512xf32, #tpu.memory_space<vmem>>
      tpu.wait_dma2 semaphore(%dma_wait3A_59 : memref<!tpu.dma_semaphore, #tpu.memory_space<semaphore_mem>>) src(%dma_wait3A_66 : memref<24x512xf32, #tpu.memory_space<vmem>>) dst(%dma_wait3A_62 : memref<24x512xf32, #tpu.memory_space<hbm>>)
    } else {
    }
    %add3A_32 = arith.constant 2048 : i32
    %add3A_33 = arith.addi %add3A, %add3A_32 : i32
    %lt3A_34 = arith.constant 2084 : i32
    %lt3A_35 = arith.cmpi slt, %add3A_33, %lt3A_34 : i32
    %and3A_36 = arith.constant true
    %and3A_37 = arith.andi %and3A_36, %lt3A_35 : i1
    %convert_element_type3A_38 = arith.extui %and3A_37 : i1 to i32
    %cond3A_39 = arith.constant 0 : i32
    %cond3A_40 = arith.cmpi ne, %convert_element_type3A_38, %cond3A_39 : i32
    scf.if %cond3A_40 {
      %dma_wait3A = arith.constant 1 : i32
      %dma_wait3A_50 = arith.constant 1 : i32
      %dma_wait3A_51 = arith.constant 0 : i32
      %dma_wait3A_52 = arith.constant 0 : i32
      %dma_wait3A_53 = tpu.memref_slice %arg7[%dma_wait3A, %dma_wait3A_51, %dma_wait3A_52] : memref<3x24x512xf32, #tpu.memory_space<vmem>> -> memref<1x24x512xf32, #tpu.memory_space<vmem>>
      %dma_wait3A_54 = tpu.memref_squeeze %dma_wait3A_53 : memref<1x24x512xf32, #tpu.memory_space<vmem>> -> memref<24x512xf32, #tpu.memory_space<vmem>>
      %dma_wait3A_55 = arith.constant 0 : i32
      %dma_wait3A_56 = arith.constant 0 : i32
      %dma_wait3A_57 = tpu.memref_slice %arg4[%dma_wait3A_55, %dma_wait3A_56] : memref<50000x512xf32, #tpu.memory_space<hbm>> -> memref<24x512xf32, #tpu.memory_space<hbm>>
      %dma_wait3A_58 = tpu.memref_slice %arg10[%dma_wait3A_50] : memref<3x!tpu.dma_semaphore, #tpu.memory_space<semaphore_mem>> -> memref<1x!tpu.dma_semaphore, #tpu.memory_space<semaphore_mem>>
      %dma_wait3A_59 = tpu.memref_squeeze %dma_wait3A_58 : memref<1x!tpu.dma_semaphore, #tpu.memory_space<semaphore_mem>> -> memref<!tpu.dma_semaphore, #tpu.memory_space<semaphore_mem>>
      %dma_wait3A_60 = arith.constant 0 : i32
      %dma_wait3A_61 = arith.constant 0 : i32
      %dma_wait3A_62 = tpu.memref_slice %arg4[%dma_wait3A_60, %dma_wait3A_61] : memref<50000x512xf32, #tpu.memory_space<hbm>> -> memref<24x512xf32, #tpu.memory_space<hbm>>
      %dma_wait3A_63 = arith.constant 0 : i32
      %dma_wait3A_64 = arith.constant 0 : i32
      %dma_wait3A_65 = tpu.memref_slice %arg7[%dma_wait3A, %dma_wait3A_63, %dma_wait3A_64] : memref<3x24x512xf32, #tpu.memory_space<vmem>> -> memref<1x24x512xf32, #tpu.memory_space<vmem>>
      %dma_wait3A_66 = tpu.memref_squeeze %dma_wait3A_65 : memref<1x24x512xf32, #tpu.memory_space<vmem>> -> memref<24x512xf32, #tpu.memory_space<vmem>>
      tpu.wait_dma2 semaphore(%dma_wait3A_59 : memref<!tpu.dma_semaphore, #tpu.memory_space<semaphore_mem>>) src(%dma_wait3A_66 : memref<24x512xf32, #tpu.memory_space<vmem>>) dst(%dma_wait3A_62 : memref<24x512xf32, #tpu.memory_space<hbm>>)
    } else {
    }
    %add3A_41 = arith.constant 2080 : i32
    %add3A_42 = arith.addi %add3A, %add3A_41 : i32
    %lt3A_43 = arith.constant 2084 : i32
    %lt3A_44 = arith.cmpi slt, %add3A_42, %lt3A_43 : i32
    %and3A_45 = arith.constant true
    %and3A_46 = arith.andi %and3A_45, %lt3A_44 : i1
    %convert_element_type3A_47 = arith.extui %and3A_46 : i1 to i32
    %cond3A_48 = arith.constant 0 : i32
    %cond3A_49 = arith.cmpi ne, %convert_element_type3A_47, %cond3A_48 : i32
    scf.if %cond3A_49 {
      %dma_wait3A = arith.constant 2 : i32
      %dma_wait3A_50 = arith.constant 2 : i32
      %dma_wait3A_51 = arith.constant 0 : i32
      %dma_wait3A_52 = arith.constant 0 : i32
      %dma_wait3A_53 = tpu.memref_slice %arg7[%dma_wait3A, %dma_wait3A_51, %dma_wait3A_52] : memref<3x24x512xf32, #tpu.memory_space<vmem>> -> memref<1x24x512xf32, #tpu.memory_space<vmem>>
      %dma_wait3A_54 = tpu.memref_squeeze %dma_wait3A_53 : memref<1x24x512xf32, #tpu.memory_space<vmem>> -> memref<24x512xf32, #tpu.memory_space<vmem>>
      %dma_wait3A_55 = arith.constant 0 : i32
      %dma_wait3A_56 = arith.constant 0 : i32
      %dma_wait3A_57 = tpu.memref_slice %arg4[%dma_wait3A_55, %dma_wait3A_56] : memref<50000x512xf32, #tpu.memory_space<hbm>> -> memref<24x512xf32, #tpu.memory_space<hbm>>
      %dma_wait3A_58 = tpu.memref_slice %arg10[%dma_wait3A_50] : memref<3x!tpu.dma_semaphore, #tpu.memory_space<semaphore_mem>> -> memref<1x!tpu.dma_semaphore, #tpu.memory_space<semaphore_mem>>
      %dma_wait3A_59 = tpu.memref_squeeze %dma_wait3A_58 : memref<1x!tpu.dma_semaphore, #tpu.memory_space<semaphore_mem>> -> memref<!tpu.dma_semaphore, #tpu.memory_space<semaphore_mem>>
      %dma_wait3A_60 = arith.constant 0 : i32
      %dma_wait3A_61 = arith.constant 0 : i32
      %dma_wait3A_62 = tpu.memref_slice %arg4[%dma_wait3A_60, %dma_wait3A_61] : memref<50000x512xf32, #tpu.memory_space<hbm>> -> memref<24x512xf32, #tpu.memory_space<hbm>>
      %dma_wait3A_63 = arith.constant 0 : i32
      %dma_wait3A_64 = arith.constant 0 : i32
      %dma_wait3A_65 = tpu.memref_slice %arg7[%dma_wait3A, %dma_wait3A_63, %dma_wait3A_64] : memref<3x24x512xf32, #tpu.memory_space<vmem>> -> memref<1x24x512xf32, #tpu.memory_space<vmem>>
      %dma_wait3A_66 = tpu.memref_squeeze %dma_wait3A_65 : memref<1x24x512xf32, #tpu.memory_space<vmem>> -> memref<24x512xf32, #tpu.memory_space<vmem>>
      tpu.wait_dma2 semaphore(%dma_wait3A_59 : memref<!tpu.dma_semaphore, #tpu.memory_space<semaphore_mem>>) src(%dma_wait3A_66 : memref<24x512xf32, #tpu.memory_space<vmem>>) dst(%dma_wait3A_62 : memref<24x512xf32, #tpu.memory_space<hbm>>)
    } else {
    }
    return
  }
}

</mosaic_0001>

<sc_bundles>
// kernel: kernel.3.cloned.1.call-start
scs
__scs_entry_jumppad:
0x0: {  	(pc) =	sbr.rel $0x88, $3  }
0x1: {  	(tag) =	ssettag $0x0;
	lr =	simm.s32 $0x1  }
0x2: {  	[smem:$0x3F9F] =	sst lr;
	_ =	strace $0xD0000000  }
0x3: {  	_ = 	snop  }
0x4: {  	_ = 	snop  }
0x5: {  	_ = 	snop  }
0x6: {  	_ = 	snop  }
0x7: {  	_ = 	snop  }
__scs_overlays_trampoline_lowered:
0x8: {  	[smem:$0x3FAE] =	sst s0  }
0x9: {  	[smem:$0x3FAF] =	sst s1  }
0xa: {  	[smem:$0x3FB0] =	sst s2  }
0xb: {  	[smem:$0x3FB1] =	sst s3  }
0xc: {  	[smem:$0x3FB2] =	sst s4  }
0xd: {  	[smem:$0x3FB3] =	sst s5  }
0xe: {  	[smem:$0x3FB4] =	sst s6  }
0xf: {  	[smem:$0x3FB5] =	sst s7  }
0x10: {  	[smem:$0x3FB6] =	sst s8  }
0x11: {  	[smem:$0x3FB7] =	sst s9;
	s0 =	simm.s32 @!p0 $0x0  }
0x12: {  	s1 =	sld [smem:$0x3F9D];
	s0 =	simm.s32 @p0 $0x1  }
0x13: {  	[smem:$0x3FB8] =	sst s0;
	s0 =	simm.s32 @!p1 $0x0  }
0x14: {  	s2 =	sld [smem:$0x3F9C];
	s0 =	simm.s32 @p1 $0x1  }
0x15: {  	[smem:$0x3FB9] =	sst s0;
	s0 =	simm.s32 @!p2 $0x0  }
0x16: {  	s3 =	sld [smem:$0x3FDB];
	s0 =	simm.s32 @p2 $0x1  }
0x17: {  	s4 =	simm.s32 $0x1BF5;
	[smem:$0x3FBB] =	sst s0  }
0x18: {  	s0 =	sld [smem:$0x3F9E];
	_ =	swait.ge [sflag:s4], $0x0  }
0x19: {  	s7 =	sld [smem:$0x3F9F]  }
0x1a: {  	s8 =	sadd.s32 $0xFFFFE003, lr  }
0x1b: {  	s9 =	sadd.s32 $0xFFFFFEF7, lr;
	s5 =	simm.s32 $0xFFFFFFFF;
	p2 =	slt.u32 s8, $0xFFFFF086  }
0x1c: {  	p1 =	slt.u32 s9, $0xF7A;
	s5 =	simm.s32 @!p2 $0x0  }
0x1d: {  	s5 =	simm.s32 @p1 $0x1;
	p0 =	seq.s32 s7, s2  }
0x1e: {  	s7 =	smul.u32 @!p0 $0xF7A, s2;
	p2 =	seq.s32 @!p0 s5, $0x0  }
0x1f: {  	s9 =	smul.u32 $0xF7A, s1;
	s8 =	simm.s32 @!p0 $0x1BF5;
	p2 =	por !p2, p0  }
0x20: {  	[sflag:s8] =	ssyncset.s32 @!p0 $0xFFFFF086;
	s6 =	sadd.s32 @!p0 s3, s7;
	s7 =	simm.s32 @!p0 $0x108  }
0x21: {  	s3 =	sadd.s32 s3, s9;
	s6 =	sadd.s32 @!p0 $0x88, s6;
	s7 =	simm.s32 @p2 $0x1082  }
0x22: {  	[simem:s7], [sflag:s8] =	dma.local @!p0 [hbm:s6], $0xF7A  }
0x23: {  	s9 =	sor.u32 $0xD0000000, s2;
	s6 =	simm.s32 $0x108;
	_ =	swait.ge @!p0 [sflag:s8], $0x0  }
0x24: {  	s3 =	sadd.s32 $0x88, s3;
	s6 =	simm.s32 @!p1 $0x1082;
	[sflag:s4] =	ssyncset.s32 $0xFFFFF086  }
0x25: {  	[simem:s6], [sflag:s4] =	dma.local [hbm:s3], $0xF7A  }
0x26: {  	[smem:$0x3F9F] =	sst s1;
	(tag) =	ssettag s2;
	_ =	strace s9  }
0x27: {  	s1 =	sld [smem:$0x3FAF]  }
0x28: {  	s2 =	sld [smem:$0x3FB0]  }
0x29: {  	s4 =	sld [smem:$0x3FB2]  }
0x2a: {  	p0 =	seq.s32 s5, $0x0;
	s5 =	sld [smem:$0x3FB3]  }
0x2b: {  	s6 =	sld [smem:$0x3FB4]  }
0x2c: {  	s7 =	sld [smem:$0x3FB5]  }
0x2d: {  	s3 =	simm.s32 $0x108;
	s8 =	sld [smem:$0x3FB6]  }
0x2e: {  	s3 =	simm.s32 @!p0 $0x1082;
	s9 =	sld [smem:$0x3FB7]  }
0x2f: {  	lr =	sadd.s32 s0, s3;
	s0 =	sld [smem:$0x3FAE]  }
0x30: {  	s3 =	sld [smem:$0x3FB1]  }
0x31: {  	[smem:$0x3FBA] =	sst s10  }
0x32: {  	s10 =	sld [smem:$0x3FB8];
	_ =	sdelay $0x3  }
0x33: {  	p0 =	seq.s32 s10, $0x1;
	s10 =	sld [smem:$0x3FBA];
	_ =	sdelay $0x3  }
0x34: {  	[smem:$0x3FBA] =	sst s10  }
0x35: {  	s10 =	sld [smem:$0x3FB9];
	_ =	sdelay $0x3  }
0x36: {  	p1 =	seq.s32 s10, $0x1;
	s10 =	sld [smem:$0x3FBA];
	_ =	sdelay $0x3  }
0x37: {  	[smem:$0x3FBA] =	sst s10  }
0x38: {  	s10 =	sld [smem:$0x3FBB]  }
0x39: {  	_ = 	snop;
	(pc) =	sbr.ind lr, $3  }
0x3a: {  	_ = 	snop  }
0x3b: {  	_ = 	snop  }
0x3c: {  	p2 =	seq.s32 s10, $0x1;
	s10 =	sld [smem:$0x3FBA]  }
0x3d: {  	_ =	shalt  }
0x3e: {  	_ =	shalt  }
0x3f: {  	_ =	shalt  }
0x40: {  	_ =	shalt  }
0x41: {  	_ =	shalt  }
0x42: {  	_ =	shalt  }
0x43: {  	_ =	shalt  }
0x44: {  	_ =	shalt  }
0x45: {  	_ =	shalt  }
0x46: {  	_ =	shalt  }
0x47: {  	_ =	shalt  }
0x48: {  	_ =	shalt  }
0x49: {  	_ =	shalt  }
0x4a: {  	_ =	shalt  }
0x4b: {  	_ =	shalt  }
0x4c: {  	_ =	shalt  }
0x4d: {  	_ =	shalt  }
0x4e: {  	_ =	shalt  }
0x4f: {  	_ =	shalt  }
0x50: {  	_ =	shalt  }
0x51: {  	_ =	shalt  }
0x52: {  	_ =	shalt  }
0x53: {  	_ =	shalt  }
0x54: {  	_ =	shalt  }
0x55: {  	_ =	shalt  }
0x56: {  	_ =	shalt  }
0x57: {  	_ =	shalt  }
0x58: {  	_ =	shalt  }
0x59: {  	_ =	shalt  }
0x5a: {  	_ =	shalt  }
0x5b: {  	_ =	shalt  }
0x5c: {  	_ =	shalt  }
0x5d: {  	_ =	shalt  }
0x5e: {  	_ =	shalt  }
0x5f: {  	_ =	shalt  }
0x60: {  	_ =	shalt  }
0x61: {  	_ =	shalt  }
0x62: {  	_ =	shalt  }
0x63: {  	_ =	shalt  }
0x64: {  	_ =	shalt  }
0x65: {  	_ =	shalt  }
0x66: {  	_ =	shalt  }
0x67: {  	_ =	shalt  }
0x68: {  	_ =	shalt  }
0x69: {  	_ =	shalt  }
0x6a: {  	_ =	shalt  }
0x6b: {  	_ =	shalt  }
0x6c: {  	_ =	shalt  }
0x6d: {  	_ =	shalt  }
0x6e: {  	_ =	shalt  }
0x6f: {  	_ =	shalt  }
0x70: {  	_ =	shalt  }
0x71: {  	_ =	shalt  }
0x72: {  	_ =	shalt  }
0x73: {  	_ =	shalt  }
0x74: {  	_ =	shalt  }
0x75: {  	_ =	shalt  }
0x76: {  	_ =	shalt  }
0x77: {  	_ =	shalt  }
0x78: {  	_ =	shalt  }
0x79: {  	_ =	shalt  }
0x7a: {  	_ =	shalt  }
0x7b: {  	_ =	shalt  }
0x7c: {  	_ =	shalt  }
0x7d: {  	_ =	shalt  }
0x7e: {  	_ =	shalt  }
0x7f: {  	_ =	shalt  }
0x80: {  	_ =	shalt  }
0x81: {  	_ =	shalt  }
0x82: {  	_ =	shalt  }
0x83: {  	_ =	shalt  }
0x84: {  	_ =	shalt  }
0x85: {  	_ =	shalt  }
0x86: {  	_ =	shalt  }
0x87: {  	_ =	shalt  }
.Lfunc_end0:
.L_simem_size_0:
called_computation_lowered:
.L_overlay_start_0:
0x88: {  	s2 =	sld [smem:$0x3FD9]  }
0x89: {  	s3 =	sld [smem:$0x3FFE];
	_ =	sdelay $0x1  }
0x8a: {  	s1 =	srdreg.scid  }
0x8b: {  	s0 =	sand.u32 $0x1, s1  }
0x8c: {  	s18 =	sshll.u32 s0, $0xA;
	s2 =	sadd.s32 s3, s2  }
0x8d: {  	s2 =	sadd.s32 s2, s18  }
0x8e: {  	[smem:$0x3FC6] =	sst s2  }
0x8f: {  	_ = 	snop  }
0x90: {  	s2 =	sld [smem:$0x3FC9]  }
0x91: {  	s19 =	sld [smem:$0x3FC8]  }
0x92: {  	s4 =	sld [smem:$0x3FD0];
	(tm) =	ssettm $0x1  }
0x93: {  	s5 =	sld [smem:$0x3FFB];
	_ =	sdelay $0x3  }
0x94: {  	_ =	strace s5  }
0x95: {  	s5 =	sld [smem:$0x3FFC];
	_ =	sdelay $0x3  }
0x96: {  	_ =	strace s5  }
0x97: {  	s5 =	sld [smem:$0x3FFD];
	_ =	sdelay $0x3  }
0x98: {  	_ =	strace s5  }
0x99: {  	_ =	strace $0x8FFFFFFF  }
0x9a: {  	s20 =	sld [smem:$0x3FDB];
	_ =	sdelay $0x1  }
0x9b: {  	s6 =	simm.s32 $_scs_section_size  }
0x9c: {  	s7 =	simm.s32 $_size__tile_overlayer_lowered;
	s8 =	simm.s32 $_tile_overlayer_lowered  }
0x9d: {  	s23 =	simm.s32 $0x1BFF;
	s22 =	sshll.u32 s8, $0x1;
	s5 =	sadd.s32 s6, s20  }
0x9e: {  	s9 =	simm.s32 $0x0;
	s21 =	sshll.u32 s7, $0x1;
	s7 =	sadd.s32 s22, s5  }
0x9f: {  	[timem:s9], [sflag:s23] =	dma.local [hbm:s7], s21  }
0xa0: {  	_ =	swait.ge [sflag:s23], s21  }
0xa1: {  	s6 =	ssub.s32 $0x0, s21;
	[sflag:s23] =	ssyncset.done $0x0  }
0xa2: {  	[sflag:s23] =	ssyncadd.s32 s6;
	_ =	sdelay $0x1  }
0xa3: {  	s24 =	simm.s32 $0x1B8B  }
0xa4: {  	_ =	swait.ge [sflag:s24], $0x1  }
0xa5: {  	[sflag:s24] =	ssyncset.done $0x0  }
0xa6: {  	s25 =	simm.s32 $0x1B8E;
	[sflag:s24] =	ssyncadd.s32 $0xFFFFFFFF  }
0xa7: {  	s26 =	simm.s32 $execute0_lowered;
	[smem:$0x3FD2] =	sst s25  }
0xa8: {  	s6 =	sshll.u32 s26, $0x1;
	_ =	strace $0x80000046;
	[dreg:$0x1] =	wrdreg $0xFFFFFFFF  }
0xa9: {  	s28 =	simm.s32 $_size_execute0_lowered;
	s5 =	sadd.s32 s5, s6;
	[dreg:$0x0] =	wrdreg $0x0  }
0xaa: {  	s6 =	sshll.u32 s28, $0x1;
	[dreg:$0x2] =	wrdreg s5  }
0xab: {  	[dreg:$0x3] =	wrdreg s6  }
0xac: {  	[dreg:$0x4] =	wrdreg $0xC0  }
0xad: {  	_ =	task [dreg:s9], $0x5FFFF  }
0xae: {  	[dreg:$0x1] =	wrdreg $0xFFFFFFFF  }
0xaf: {  	[dreg:$0x0] =	wrdreg $0x60  }
0xb0: {  	[dreg:$0x2] =	wrdreg s2  }
0xb1: {  	[dreg:$0x3] =	wrdreg s19  }
0xb2: {  	[dreg:$0x4] =	wrdreg s4  }
0xb3: {  	[dreg:$0x5] =	wrdreg $0x9  }
0xb4: {  	_ =	task.clear_ibuf [dreg:s9], $0x6FFFF;
	_ =	strace $0x90000046  }
0xb5: {  	s29 =	simm.s32 $0x9;
	_ =	strace $0x80000048  }
0xb6: {  	_ =	swait.ge [sflag:s29], $0x1  }
0xb7: {  	[sflag:s29] =	ssyncadd.s32 $0xFFFFFFFF  }
0xb8: {  	_ =	strace $0x90000048  }
0xb9: {  	_ =	sfence  }
0xba: {  	s30 =	sld [smem:$0x0];
	_ =	sdelay $0x2  }
0xbb: {  	s31 =	sshll.u32 s1, $0xD;
	s1 =	sshrl.u32 s1, $0x2  }
0xbc: {  	s3 =	sand.u32 $0x4000, s31;
	s1 =	sadd.s32 s1, s30  }
0xbd: {  	s0 =	sor.u32 s3, s0;
	s1 =	sshll.u32 s1, $0x11  }
0xbe: {  	s0 =	sor.u32 s1, s0  }
0xbf: {  	s0 =	sadd.s32 $0x8F2B, s0  }
0xc0: {  	[sflag:s0] =	ssyncadd.remote.s32 $0x1  }
0xc1: {  	_ =	sfence.sel $0xFFFF  }
0xc2: {  	[dreg:$0x0] =	wrdreg $0xFFFFFFFF;
	(pc) =	sbr.abs _section_cstart, $3  }
0xc3: {  	[dreg:$0x1] =	wrdreg $0xFFFFFFFF  }
0xc4: {  	_ =	task.clear_ibuf [dreg:s9], $0x2FFFF;
	_ =	strace $0x9FFFFFFF  }
0xc5: {  	(tm) =	ssettm $0x7FFFFFFF  }
tec
execute0_lowered:
.L_overlay_start_1:
0x0: {  	(tag) =	ssettag $0x1  }
0x1: {  	s4 =	rddreg [dreg:$0x0]  }
0x2: {  	s5 =	rddreg [dreg:$0x1]  }
0x3: {  	s0 =	srdreg.scid;
	s2 =	stileid.u32  }
0x4: {  	s3 =	simm.s32 $0x0;
	s0 =	sand.u32 $0x1, s0;
	s1 =	sshll.u32 s2, $0x1  }
0x5: {  	[smem:$0x7FF] =	sst s3;
	s6 =	ssub.s32 $0x2, s0;
	s10 =	sor.u32 s0, s1  }
0x6: {  	_ =	strace $0x80000047;
	s24 =	sor.u32 $0x60, s10;
	[dreg:$0x4] =	wrdreg s10  }
0x7: {  	s13 =	sshrl.u32 s6, $0x1;
	s25 =	sor.u32 $0x20, s10;
	[dreg:$0xb] =	wrdreg s24  }
0x8: {  	s1 =	smul.u32 $0x18, s10;
	s26 =	sor.u32 $0x80, s10;
	[dreg:$0xc] =	wrdreg s25  }
0x9: {  	s7 =	smul.u32 $0x600, s10;
	s30 =	sor.u32 $0x40, s10;
	[dreg:$0xd] =	wrdreg s26  }
0xa: {  	s31 =	sor.u32 $0xA0, s10;
	s0 =	ssub.s32 s6, s13;
	[dreg:$0xe] =	wrdreg s30  }
0xb: {  	[dreg:$0xf] =	wrdreg s31;
	s14 =	sshrl.u32 s1, $0x3;
	s8 =	sadd.s32 $0x300, s1  }
0xc: {  	s1 =	sadd.s32 $0x600, s1;
	s15 =	sadd.s32 s4, s7;
	s0 =	smax.u32 s0, $0x1  }
0xd: {  	s6 =	smul.u32 $0x180, s14;
	s9 =	sshrl.u32 s8, $0x3;
	[dreg:$0x5] =	wrdreg s15  }
0xe: {  	s17 =	sshrl.u32 s1, $0x3;
	s19 =	sshll.u32 s8, $0x6;
	s1 =	sshll.u32 s1, $0x6  }
0xf: {  	[dreg:$0x10] =	wrdreg s0;
	s16 =	smul.u32 $0x180, s9;
	s21 =	sadd.s32 s4, s19  }
.Ltmp0:
0x10: {  	s1 =	sadd.s32 s4, s1;
	[dreg:$0x7] =	wrdreg s21;
	(pc) =	sbr.rel .LBB2_1-.Ltmp0, $4  }
0x11: {  	s20 =	smul.u32 $0x180, s17;
	s18 =	sadd.s32 s5, s6;
	[dreg:$0x9] =	wrdreg s1  }
0x12: {  	s28 =	simm.s32 $0x2;
	[dreg:$0x6] =	wrdreg s18;
	s22 =	sadd.s32 s5, s16  }
0x13: {  	s29 =	simm.s32 $0x5;
	s23 =	sadd.s32 s5, s20;
	[dreg:$0x8] =	wrdreg s22  }
0x14: {  	p0 =	sgt.u32 s2, $0x1;
	s2 =	simm.s32 $0x0;
	[dreg:$0xa] =	wrdreg s23  }
.LBB2_11:
0x15: {  	s0 =	simm.s32 $0x7  }
0x16: {  	_ =	swait.ge [sflag:s0], $0x3000  }
0x17: {  	[sflag:s0] =	ssyncset.done $0x0  }
0x18: {  	s31 =	simm.s32 $0x8;
	[sflag:s0] =	ssyncadd.s32 $0xFFFFD000  }
0x19: {  	_ =	swait.ge [sflag:s31], $0x3000  }
0x1a: {  	[sflag:s31] =	ssyncset.done $0x0  }
0x1b: {  	s0 =	simm.s32 @!p0 $0x9;
	[sflag:s31] =	ssyncadd.s32 $0xFFFFD000  }
0x1c: {  	_ =	swait.ge @!p0 [sflag:s0], $0x3000  }
0x1d: {  	s2 =	rddreg [dreg:$0x11]  }
0x1e: {  	s1 =	rddreg [dreg:$0x10];
	s2 =	sadd.s32 $0x1, s2  }
0x1f: {  	p1 =	sne.s32 s2, s1  }
.Ltmp1:
0x20: {  	_ = 	snop;
	(pc) =	sbr.rel @!p1 .LBB2_12-.Ltmp1, $3  }
0x21: {  	_ =	sdelay $0x1  }
0x22: {  	[sflag:s0] =	ssyncset.done @!p0 $0x0  }
0x23: {  	[sflag:s0] =	ssyncadd.s32 @!p0 $0xFFFFD000  }
.LBB2_1:
0x24: {  	s0 =	simm.s32 $0x0;
	s1 =	rddreg [dreg:$0x5]  }
0x25: {  	[tilespmem:s0], [sflag:$0x1] =	stream.linear.gather [hbm4b:s1+s0], $0x3000, $0x38;
	[tilespmem:$0x18C00] =	vst v63  }
0x26: {  	s19 =	rddreg [dreg:$0x6];
	s20 =	simm.s32 $0x9000  }
0x27: {  	[tilespmem:s20], [sflag:$0x4] =	stream.linear.gather [hbm4b:s19+s0], $0x2400, $0x38;
	[tilespmem:$0x18C00] =	vst v63  }
0x28: {  	s21 =	rddreg [dreg:$0x7];
	s22 =	simm.s32 $0x3000  }
0x29: {  	[tilespmem:s22], [sflag:$0x2] =	stream.linear.gather [hbm4b:s21+s0], $0x3000, $0x38;
	[tilespmem:$0x18C00] =	vst v63  }
0x2a: {  	s23 =	rddreg [dreg:$0x8];
	s24 =	simm.s32 $0xB400  }
0x2b: {  	[tilespmem:s24], [sflag:$0x5] =	stream.linear.gather [hbm4b:s23+s0], $0x2400, $0x38;
	[tilespmem:$0x18C00] =	vst v63  }
.Ltmp2:
0x2c: {  	[dreg:$0x11] =	wrdreg s2;
	(pc) =	sbr.rel .LBB2_2-.Ltmp2, $4  }
0x2d: {  	s25 =	rddreg [dreg:$0x9];
	s26 =	simm.s32 $0x6000  }
0x2e: {  	[tilespmem:s26], [sflag:$0x3] =	stream.linear.gather [hbm4b:s25+s0], $0x3000, $0x38;
	[tilespmem:$0x18C00] =	vst v63  }
0x2f: {  	s30 =	rddreg [dreg:$0xa];
	s31 =	simm.s32 $0xD800;
	s20 =	simm.s32 $0x0  }
0x30: {  	[tilespmem:s31], [sflag:$0x6] =	stream.linear.gather [hbm4b:s30+s0], $0x2400, $0x38;
	[tilespmem:$0x18C00] =	vst v63  }
.LBB2_10:
0x31: {  	s0 =	rddreg [dreg:$0xf]  }
0x32: {  	s0 =	sadd.s32 s0, s21  }
0x33: {  	p1 =	sgt.u32 s0, $0x823  }
0x34: {  	s0 =	smul.u32 @!p1 $0x18, s0;
	_ =	sdelay $0x1  }
0x35: {  	s0 =	smin.u32 @!p1 s0, $0xC338  }
0x36: {  	s2 =	simm.s32 @!p1 $0x0;
	s1 =	sshll.u32 @!p1 s0, $0x6;
	s0 =	sshrl.u32 @!p1 s0, $0x3  }
0x37: {  	s3 =	simm.s32 @!p1 $0x6000;
	s1 =	sadd.s32 @!p1 s4, s1;
	s0 =	smul.u32 @!p1 $0x180, s0  }
0x38: {  	[tilespmem:s3], [sflag:$0x3] =	stream.linear.gather @!p1 [hbm4b:s1+s2], $0x3000, $0x38;
	[tilespmem:$0x18C00] =	vst v63  }
0x39: {  	s20 =	sadd.s32 $0x1, s20;
	s1 =	simm.s32 @!p1 $0xD800;
	s0 =	sadd.s32 @!p1 s5, s0  }
0x3a: {  	[tilespmem:s1], [sflag:$0x6] =	stream.linear.gather @!p1 [hbm4b:s0+s2], $0x2400, $0x38;
	[tilespmem:$0x18C00] =	vst v63  }
0x3b: {  	p1 =	sne.s32 s20, $0x16  }
.Ltmp3:
0x3c: {  	_ = 	snop;
	(pc) =	sbr.rel @!p1 .LBB2_11-.Ltmp3, $1  }
0x3d: {  	_ =	sdelay $0x3  }
.LBB2_2:
0x3e: {  	s0 =	simm.s32 $0x1  }
0x3f: {  	_ =	swait.ge [sflag:s0], $0x3000  }
0x40: {  	[sflag:s0] =	ssyncset.done $0x0  }
0x41: {  	s22 =	simm.s32 $0x4;
	p1 =	seq.s32 s20, $0x0;
	[sflag:s0] =	ssyncadd.s32 $0xFFFFD000  }
0x42: {  	s1 =	simm.s32 $0x0;
	s7 =	simm.s32 $0x0;
	_ =	swait.ge [sflag:s22], $0x2400  }
0x43: {  	s8 =	simm.s32 $0x0;
	s1 =	smul.u32 $0x3000, s1;
	[sflag:s22] =	ssyncset.done $0x0  }
0x44: {  	s6 =	sand.u32 $0x60, s7;
	s0 =	simm.s32 @!p1 $0x7;
	[sflag:s22] =	ssyncadd.s32 $0xFFFFDC00  }
0x45: {  	s7 =	sand.u32 $0x380, s7;
	s10 =	sor.u32 $0x10, s6;
	_ =	swait.ge @!p1 [sflag:s0], $0x3000  }
0x46: {  	s8 =	sor.u32 s7, s8;
	s1 =	sshra.s32 s1, $0x2;
	[sflag:s0] =	ssyncset.done @!p1 $0x0  }
0x47: {  	s9 =	sor.u32 s10, s8;
	s7 =	sor.u32 s7, s1;
	[sflag:s0] =	ssyncadd.s32 @!p1 $0xFFFFD000  }
0x48: {  	s23 =	sadd.s32 $0x9000, s7;
	v10 =	vld [tilespmem:s9+$0x800]  }
0x49: {  	s1 =	sadd.s32 $0x9800, s7;
	s11 =	sor.u32 s10, s23;
	v12 =	vld [tilespmem:s9+$0xC00]  }
0x4a: {  	s24 =	sor.u32 s10, s1;
	v3 =	vld [tilespmem:s11+$0x0]  }
0x4b: {  	s0 =	sor.u32 s6, s23;
	v8 =	vld [tilespmem:s24+$0x0]  }
0x4c: {  	s1 =	sor.u32 s6, s1;
	v1 =	vld [tilespmem:s0+$0x0]  }
0x4d: {  	s22 =	sor.u32 s6, s8;
	v6 =	vld [tilespmem:s1+$0x0]  }
0x4e: {  	v2 =	vld [tilespmem:s22+$0x400]  }
0x4f: {  	v4 =	vld [tilespmem:s22+$0x800]  }
0x50: {  	s25 =	simm.s32 $0x0;
	v9 =	vld [tilespmem:s22+$0xC00]  }
0x51: {  	s8 =	smul.u32 $0x3000, s25;
	v14 =	vld [tilespmem:s9+$0x0]  }
0x52: {  	s7 =	sadd.s32 $0x9400, s7;
	s0 =	simm.s32 $0x20;
	v11 =	vld [tilespmem:s9+$0x400]  }
0x53: {  	s18 =	sor.u32 s10, s7;
	s8 =	sshra.s32 s8, $0x2;
	s12 =	sand.u32 $0x380, s0  }
0x54: {  	v18 =	vld [tilespmem:s18+$0x0];
	s1 =	sand.u32 $0x60, s0;
	s10 =	sor.u32 s12, s8;
	v0 =	vmul.f32 v8, v12;
	v7 =	vmul.f32 v3, v10  }
0x55: {  	s13 =	simm.s32 $0x0;
	v5 =	vld [tilespmem:s22+$0x0];
	s11 =	sor.u32 $0x10, s1;
	s8 =	sadd.s32 $0x9000, s10;
	v19 =	vmul.f32 v6, v2;
	v21 =	vmul.f32 v1, v4  }
0x56: {  	s13 =	sor.u32 s12, s13;
	s12 =	sadd.s32 $0x9800, s10;
	s26 =	sor.u32 s11, s8;
	v20 =	vmul.f32 v6, v9;
	v13 =	vmul.f32 v3, v14  }
0x57: {  	s30 =	sor.u32 s11, s12;
	v6 =	vld [tilespmem:s26+$0x0];
	v22 =	vmul.f32 v3, v11;
	v15 =	vmul.f32 v8, v11  }
0x58: {  	s23 =	sor.u32 s11, s13;
	v8 =	vld [tilespmem:s30+$0x0];
	v17 =	vmul.f32 $8.999999760e-01, v7;
	v7 =	vmul.f32 v1, v2  }
0x59: {  	v23 =	vmul.f32 v18, v14;
	v16 =	vmul.f32 $6.999999880e-01, v0;
	v2 =	vld [tilespmem:s23+$0x800]  }
0x5a: {  	s8 =	sor.u32 s1, s8;
	v0 =	vmul.f32 v1, v5;
	v1 =	vmul.f32 $5.000000000e-01, v7;
	v7 =	vld [tilespmem:s23+$0xC00]  }
0x5b: {  	s6 =	sor.u32 s6, s7;
	v11 =	vld [tilespmem:s8+$0x0];
	v3 =	vmul.f32 $1.100000020e+00, v19;
	v19 =	vmul.f32 v18, v12  }
0x5c: {  	s31 =	sor.u32 s1, s12;
	v14 =	vld [tilespmem:s6+$0x0];
	v24 =	vmul.f32 $6.999999880e-01, v20;
	v20 =	vmul.f32 v18, v10  }
0x5d: {  	s21 =	smul.u32 $0x60, s20;
	s7 =	sor.u32 s1, s13;
	v12 =	vld [tilespmem:s31+$0x0];
	v21 =	vmul.f32 $8.999999760e-01, v21;
	v18 =	vmul.f32 $2.000000030e-01, v23;
	v16 =	vsub.f32 v16, v17  }
0x5e: {  	s2 =	rddreg [dreg:$0x4];
	v10 =	vld [tilespmem:s7+$0x0];
	v19 =	vmul.f32 $4.000000060e-01, v19;
	v17 =	vmul.f32 $5.000000000e-01, v22  }
0x5f: {  	s12 =	simm.s32 $0x2;
	s8 =	sor.u32 s2, s21;
	v21 =	vsub.f32 v24, v21;
	[tilespmem:s9+$0x10800] =	vst v16;
	v16 =	vld [tilespmem:s7+$0x400];
	v23 =	vmul.f32 v6, v2;
	v22 =	vmul.f32 v8, v7  }
.LBB2_3:
0x60: {  	s12 =	sadd.s32 $0x2, s12;
	v24 =	vld [tilespmem:s7+$0x800];
	v13 =	vadd.f32 v19, v13;
	v19 =	vmul.f32 $3.000000120e-01, v20;
	v15 =	vmul.f32 $1.100000020e+00, v15  }
0x61: {  	s0 =	sadd.s32 $0x20, s0;
	v17 =	vadd.f32 v18, v17;
	s6 =	sshrl.u32 s12, $0x6;
	v20 =	vld [tilespmem:s7+$0xC00];
	v22 =	vmul.f32 $6.999999880e-01, v22;
	v23 =	vmul.f32 $8.999999760e-01, v23;
	[tilespmem:s22+$0x10800] =	vst v21  }
0x62: {  	s13 =	sand.u32 $0x60, s0;
	s18 =	sand.u32 $0x380, s0;
	v9 =	vmul.f32 v14, v9;
	v21 =	vmul.f32 v14, v5;
	s19 =	smul.u32 $0x3000, s6;
	v18 =	vld [tilespmem:s23+$0x0];
	[tilespmem:s9+$0xFC00] =	vst v13;
	v25 =	vsub.f32 v15, v19  }
0x63: {  	s30 =	sadd.s32 $0x9400, s10;
	v14 =	vmul.f32 v14, v4;
	s6 =	sshll.u32 s6, $0xC;
	s26 =	sor.u32 $0x10, s13;
	v15 =	vmul.f32 v11, v10;
	v19 =	vld [tilespmem:s23+$0x400];
	v13 =	vsub.f32 v22, v23;
	[tilespmem:s9+$0x10000] =	vst v17  }
0x64: {  	s11 =	sor.u32 s11, s30;
	s6 =	sor.u32 s18, s6;
	v5 =	vmov v10;
	s10 =	sshra.s32 s19, $0x2;
	v17 =	vmul.f32 v11, v16;
	v16 =	vmul.f32 v12, v16;
	[tilespmem:s9+$0x10400] =	vst v25  }
0x65: {  	s19 =	sor.u32 s1, s30;
	s10 =	sor.u32 s18, s10;
	s18 =	sor.u32 s26, s6;
	v10 =	vmul.f32 v11, v24;
	v22 =	vld [tilespmem:s11+$0x0];
	[tilespmem:s23+$0x10800] =	vst v13;
	v11 =	vmul.f32 $4.000000060e-01, v9;
	v4 =	vmov v24  }
0x66: {  	p2 =	slt.u32 s12, $0xBE;
	s6 =	sor.u32 s13, s6;
	s1 =	sadd.s32 $0x9000, s10;
	v23 =	vld [tilespmem:s18+$0x800];
	v17 =	vmul.f32 $5.000000000e-01, v17;
	v12 =	vmul.f32 v12, v20;
	v9 =	vmov v20  }
0x67: {  	s9 =	sadd.s32 $0x9800, s10;
	v20 =	vmul.f32 $2.000000030e-01, v21;
	s30 =	sor.u32 s13, s1;
	v24 =	vld [tilespmem:s18+$0xC00];
	s1 =	sor.u32 s26, s1;
	v13 =	vmul.f32 v6, v18;
	v11 =	vadd.f32 v11, v0;
	v0 =	vmovc v15  }
0x68: {  	s31 =	sor.u32 s13, s9;
	s9 =	sor.u32 s26, s9;
	v21 =	vmul.f32 v6, v19;
	v6 =	vld [tilespmem:s1+$0x0];
	v15 =	vmul.f32 v8, v19;
	s1 =	smov.u32 s13  }
0x69: {  	v25 =	vmul.f32 $3.000000120e-01, v14;
	s11 =	smov.u32 s26;
	v16 =	vmul.f32 $1.100000020e+00, v16;
	v19 =	vadd.f32 v20, v1;
	v1 =	vmovc v17;
	v8 =	vld [tilespmem:s9+$0x0];
	[tilespmem:s22+$0xFC00] =	vst v11;
	s9 =	smov.u32 s23;
	s23 =	smov.u32 s18  }
.Ltmp4:
0x6a: {  	v11 =	vld [tilespmem:s30+$0x0];
	v17 =	vmul.f32 v22, v7;
	v18 =	vmul.f32 v22, v18;
	(pc) =	sbr.rel @p2 .LBB2_3-.Ltmp4, $4  }
0x6b: {  	v26 =	vmul.f32 $6.999999880e-01, v12;
	v20 =	vmul.f32 v22, v2;
	v22 =	vsub.f32 v3, v25;
	v14 =	vld [tilespmem:s19+$0x0];
	[tilespmem:s22+$0x10000] =	vst v19;
	v2 =	vmovc v23  }
0x6c: {  	v25 =	vmul.f32 $8.999999760e-01, v10;
	v3 =	vmovc v16;
	v12 =	vld [tilespmem:s31+$0x0];
	v19 =	vmul.f32 $4.000000060e-01, v17;
	v7 =	vmov v24  }
0x6d: {  	v17 =	vmul.f32 $5.000000000e-01, v21;
	v18 =	vmul.f32 $2.000000030e-01, v18;
	v10 =	vld [tilespmem:s6+$0x0];
	[tilespmem:s22+$0x10400] =	vst v22;
	s22 =	smov.u32 s7;
	s7 =	smov.u32 s6  }
0x6e: {  	v21 =	vsub.f32 v26, v25;
	v23 =	vmul.f32 v6, v2;
	v16 =	vld [tilespmem:s7+$0x400];
	v22 =	vmul.f32 v8, v7  }
0x6f: {  	v24 =	vld [tilespmem:s7+$0x800];
	v20 =	vmul.f32 $3.000000120e-01, v20  }
0x70: {  	v15 =	vmul.f32 $1.100000020e+00, v15;
	v25 =	vld [tilespmem:s7+$0xC00];
	v22 =	vmul.f32 $6.999999880e-01, v22  }
0x71: {  	v26 =	vld [tilespmem:s23+$0x0];
	s0 =	sadd.s32 $0x9400, s10;
	v23 =	vmul.f32 $8.999999760e-01, v23;
	v9 =	vmul.f32 v14, v9  }
0x72: {  	v27 =	vld [tilespmem:s23+$0x400];
	v5 =	vmul.f32 v14, v5;
	v4 =	vmul.f32 v14, v4;
	s6 =	sor.u32 s11, s0  }
0x73: {  	v29 =	vld [tilespmem:s6+$0x0];
	v28 =	vmul.f32 v11, v10;
	v9 =	vmul.f32 $4.000000060e-01, v9  }
0x74: {  	v5 =	vmul.f32 $2.000000030e-01, v5;
	v4 =	vmul.f32 $3.000000120e-01, v4  }
0x75: {  	v13 =	vadd.f32 v19, v13;
	v14 =	vmul.f32 v11, v16;
	v16 =	vmul.f32 v12, v16  }
0x76: {  	v17 =	vadd.f32 v18, v17;
	[tilespmem:s22+$0x10800] =	vst v21;
	s0 =	sor.u32 s1, s0;
	v11 =	vmul.f32 v11, v24;
	v12 =	vmul.f32 v12, v25  }
0x77: {  	[tilespmem:s9+$0xFC00] =	vst v13;
	v13 =	vsub.f32 v15, v20;
	v15 =	vld [tilespmem:s0+$0x0];
	v57 =	vmul.f32 v6, v26;
	v6 =	vmul.f32 v6, v27  }
0x78: {  	[tilespmem:s9+$0x10000] =	vst v17;
	v58 =	vsub.f32 v22, v23;
	v8 =	vmul.f32 v8, v27;
	v7 =	vmul.f32 v29, v7  }
0x79: {  	[tilespmem:s9+$0x10400] =	vst v13;
	v0 =	vadd.f32 v9, v0;
	v17 =	vmul.f32 v29, v26;
	v9 =	vmul.f32 $6.999999880e-01, v12  }
0x7a: {  	[tilespmem:s23+$0x10800] =	vst v58;
	v1 =	vadd.f32 v5, v1;
	v2 =	vmul.f32 v29, v2;
	v5 =	vmul.f32 $8.999999760e-01, v11  }
0x7b: {  	[tilespmem:s22+$0xFC00] =	vst v0;
	v0 =	vsub.f32 v3, v4;
	v3 =	vmul.f32 $5.000000000e-01, v6;
	v7 =	vmul.f32 $4.000000060e-01, v7  }
0x7c: {  	[tilespmem:s22+$0x10000] =	vst v1;
	v4 =	vmul.f32 $2.000000030e-01, v17;
	v1 =	vsub.f32 v9, v5;
	v5 =	vmul.f32 v15, v25  }
0x7d: {  	v6 =	vmul.f32 $1.100000020e+00, v8;
	v2 =	vmul.f32 $3.000000120e-01, v2;
	[tilespmem:s22+$0x10400] =	vst v0;
	v0 =	vadd.f32 v7, v57  }
0x7e: {  	[tilespmem:s7+$0x10800] =	vst v1;
	v1 =	vadd.f32 v4, v3;
	v4 =	vmul.f32 $4.000000060e-01, v5  }
0x7f: {  	v7 =	vmul.f32 v15, v10;
	[tilespmem:s23+$0xFC00] =	vst v0;
	v0 =	vsub.f32 v6, v2  }
0x80: {  	v3 =	vmul.f32 v15, v24;
	[tilespmem:s23+$0x10000] =	vst v1;
	v1 =	vadd.f32 v4, v28  }
0x81: {  	v5 =	vmul.f32 $5.000000000e-01, v14;
	v2 =	vmul.f32 $2.000000030e-01, v7;
	[tilespmem:s23+$0x10400] =	vst v0  }
0x82: {  	v6 =	vmul.f32 $1.100000020e+00, v16;
	v3 =	vmul.f32 $3.000000120e-01, v3;
	[tilespmem:s7+$0xFC00] =	vst v1  }
0x83: {  	v0 =	vadd.f32 v2, v5;
	s11 =	rddreg [dreg:$0xb]  }
0x84: {  	s10 =	smul.u32 $0x600, s8;
	v1 =	vsub.f32 v6, v3;
	s1 =	sadd.s32 s11, s21  }
0x85: {  	s2 =	rddreg [dreg:$0x2];
	s12 =	simm.s32 $0x0;
	[tilespmem:s7+$0x10000] =	vst v0;
	p2 =	sgt.u32 s1, $0x823  }
0x86: {  	s3 =	simm.s32 $0xFC00;
	s0 =	sadd.s32 s2, s10;
	[tilespmem:s7+$0x10400] =	vst v1;
	s1 =	smul.u32 @!p2 $0x18, s1  }
0x87: {  	[hbm4b:s0+s12] =	stream.linear.scatter [tilespmem:s3], [sflag:$0x7], $0x3000, $0x38;
	[tilespmem:$0x18C00] =	vst v63  }
0x88: {  	s0 =	smin.u32 @!p2 s1, $0xC338  }
0x89: {  	s1 =	sshrl.u32 @!p2 s0, $0x3;
	s0 =	sshll.u32 @!p2 s0, $0x6  }
0x8a: {  	s6 =	simm.s32 @!p2 $0x0;
	s0 =	sadd.s32 @!p2 s4, s0;
	s1 =	smul.u32 @!p2 $0x180, s1  }
0x8b: {  	[tilespmem:s6], [sflag:$0x1] =	stream.linear.gather @!p2 [hbm4b:s0+s6], $0x3000, $0x38;
	[tilespmem:$0x18C00] =	vst v63  }
0x8c: {  	s0 =	sadd.s32 @!p2 s5, s1;
	s1 =	simm.s32 @!p2 $0x9000  }
0x8d: {  	[tilespmem:s1], [sflag:$0x4] =	stream.linear.gather @!p2 [hbm4b:s0+s6], $0x2400, $0x38;
	[tilespmem:$0x18C00] =	vst v63  }
0x8e: {  	_ =	swait.ge [sflag:s28], $0x3000  }
0x8f: {  	[sflag:s28] =	ssyncset.done $0x0  }
0x90: {  	s13 =	simm.s32 $0x0;
	[sflag:s28] =	ssyncadd.s32 $0xFFFFD000  }
0x91: {  	s14 =	simm.s32 $0x0;
	s15 =	simm.s32 $0x0;
	_ =	swait.ge [sflag:s29], $0x2400  }
0x92: {  	s16 =	sand.u32 $0x380, s13;
	s17 =	sand.u32 $0x60, s13;
	[sflag:s29] =	ssyncset.done $0x0  }
0x93: {  	s2 =	sor.u32 $0x10, s17;
	s0 =	simm.s32 @!p1 $0x8;
	[sflag:s29] =	ssyncadd.s32 $0xFFFFDC00  }
0x94: {  	s22 =	smul.u32 $0x3000, s14;
	s7 =	sor.u32 s16, s15;
	_ =	swait.ge @!p1 [sflag:s0], $0x3000  }
0x95: {  	s23 =	sadd.s32 $0x3000, s7;
	s12 =	sadd.s32 $0x3400, s7;
	[sflag:s0] =	ssyncset.done @!p1 $0x0  }
0x96: {  	s3 =	sshra.s32 s22, $0x2;
	s1 =	sor.u32 s2, s23;
	[sflag:s0] =	ssyncadd.s32 @!p1 $0xFFFFD000  }
0x97: {  	s13 =	sadd.s32 $0x3C00, s7;
	s8 =	sor.u32 s16, s3;
	s0 =	sor.u32 s2, s12;
	v0 =	vld [tilespmem:s1+$0x0]  }
0x98: {  	s26 =	sor.u32 s2, s13;
	s18 =	sadd.s32 $0xB400, s8;
	v1 =	vld [tilespmem:s0+$0x0]  }
0x99: {  	s24 =	smov.u32 s4;
	s19 =	sadd.s32 $0xB800, s8;
	s4 =	sor.u32 s2, s18;
	v2 =	vld [tilespmem:s26+$0x0]  }
0x9a: {  	s25 =	smov.u32 s5;
	s7 =	sadd.s32 $0x3800, s7;
	s5 =	sor.u32 s2, s19;
	v3 =	vld [tilespmem:s4+$0x0]  }
0x9b: {  	s9 =	sor.u32 s2, s7;
	s8 =	sadd.s32 $0xBC00, s8;
	v4 =	vld [tilespmem:s5+$0x0]  }
0x9c: {  	s11 =	sor.u32 s2, s8;
	v5 =	vld [tilespmem:s9+$0x0]  }
0x9d: {  	s14 =	sor.u32 s17, s19;
	v6 =	vld [tilespmem:s11+$0x0]  }
0x9e: {  	s23 =	sor.u32 s17, s23;
	v7 =	vld [tilespmem:s14+$0x0]  }
0x9f: {  	s18 =	sor.u32 s17, s18;
	v15 =	vld [tilespmem:s23+$0x0]  }
0xa0: {  	s8 =	sor.u32 s17, s8;
	v11 =	vld [tilespmem:s18+$0x0];
	v8 =	vmul.f32 v3, v0;
	v10 =	vmul.f32 v4, v2  }
0xa1: {  	s15 =	simm.s32 $0x0;
	s19 =	sor.u32 s17, s12;
	v9 =	vld [tilespmem:s8+$0x0];
	v12 =	vmul.f32 v3, v1;
	v0 =	vmul.f32 v4, v0  }
0xa2: {  	s16 =	smul.u32 $0x3000, s15;
	s22 =	sor.u32 s17, s13;
	s8 =	simm.s32 $0x20;
	v13 =	vld [tilespmem:s19+$0x0];
	v4 =	vmul.f32 v4, v5;
	v1 =	vmul.f32 v6, v1  }
0xa3: {  	s18 =	sor.u32 s17, s7;
	s17 =	simm.s32 $0x0;
	v14 =	vld [tilespmem:s22+$0x0];
	s2 =	sand.u32 $0x380, s8;
	v2 =	vmul.f32 v6, v2;
	v3 =	vmul.f32 v3, v5  }
0xa4: {  	s7 =	sshra.s32 s16, $0x2;
	s3 =	sand.u32 $0x60, s8;
	s10 =	sor.u32 s2, s17;
	v61 =	vmul.f32 v7, v15;
	v10 =	vmul.f32 $4.000000060e-01, v10  }
0xa5: {  	s5 =	sor.u32 $0x10, s3;
	s7 =	sor.u32 s2, s7;
	s4 =	sadd.s32 $0x3000, s10;
	v6 =	vld [tilespmem:s18+$0x0];
	v12 =	vmul.f32 $5.000000000e-01, v12;
	v16 =	vmul.f32 $2.000000030e-01, v0  }
0xa6: {  	s30 =	sadd.s32 $0xB400, s7;
	s11 =	sor.u32 s5, s4;
	v17 =	vmul.f32 $3.000000120e-01, v4;
	v1 =	vmul.f32 $1.100000020e+00, v1  }
0xa7: {  	s31 =	sor.u32 s5, s30;
	v0 =	vld [tilespmem:s11+$0x0];
	v60 =	vmul.f32 $8.999999760e-01, v3;
	v3 =	vmul.f32 v11, v13  }
0xa8: {  	s15 =	sadd.s32 $0xBC00, s7;
	s30 =	sor.u32 s3, s30;
	v59 =	vmul.f32 $6.999999880e-01, v2;
	v2 =	vld [tilespmem:s31+$0x0];
	v4 =	vadd.f32 v10, v8;
	v8 =	vmul.f32 v7, v14  }
0xa9: {  	s14 =	sadd.s32 $0xB800, s7;
	s7 =	sor.u32 s5, s15;
	v10 =	vmul.f32 v9, v14;
	v12 =	vadd.f32 v16, v12;
	v14 =	vmul.f32 $5.000000000e-01, v3;
	v3 =	vld [tilespmem:s30+$0x0]  }
0xaa: {  	s31 =	sor.u32 s5, s14;
	s30 =	sadd.s32 $0x3C00, s10;
	v62 =	vmul.f32 v7, v6;
	v7 =	vld [tilespmem:s7+$0x0];
	v16 =	vmul.f32 v11, v6;
	s7 =	rddreg [dreg:$0xc];
	v6 =	vsub.f32 v1, v17;
	[tilespmem:s1+$0xFC00] =	vst v4  }
0xab: {  	s16 =	sadd.s32 $0x3400, s10;
	v13 =	vmul.f32 v9, v13;
	v5 =	vld [tilespmem:s31+$0x0];
	s1 =	sor.u32 s5, s30;
	[tilespmem:s0+$0xFC00] =	vst v12  }
0xac: {  	s17 =	sadd.s32 $0x3800, s10;
	v15 =	vmul.f32 v11, v15;
	s31 =	sor.u32 s5, s16;
	v12 =	vsub.f32 v59, v60;
	[tilespmem:s9+$0xFC00] =	vst v6;
	v6 =	vld [tilespmem:s1+$0x0]  }
0xad: {  	v63 =	vmul.f32 $1.100000020e+00, v13;
	v4 =	vld [tilespmem:s31+$0x0];
	v9 =	vmul.f32 $4.000000060e-01, v8;
	s0 =	sor.u32 s5, s17  }
0xae: {  	s12 =	sor.u32 s3, s4;
	s13 =	sor.u32 s3, s15;
	v8 =	vmul.f32 $2.000000030e-01, v61;
	v17 =	vmul.f32 $3.000000120e-01, v62;
	[tilespmem:s26+$0xFC00] =	vst v12;
	v12 =	vld [tilespmem:s0+$0x0]  }
0xaf: {  	s14 =	sor.u32 s3, s14;
	s10 =	sor.u32 s3, s16;
	s7 =	sadd.s32 s7, s21;
	v13 =	vmul.f32 $6.999999880e-01, v10;
	v10 =	vmul.f32 v2, v0  }
0xb0: {  	v1 =	vld [tilespmem:s14+$0x0];
	s30 =	sor.u32 s3, s30;
	s9 =	sor.u32 s3, s17;
	v8 =	vadd.f32 v8, v14;
	v14 =	vmul.f32 $8.999999760e-01, v16;
	s26 =	simm.s32 $0x2;
	v11 =	vsub.f32 v63, v17  }
.LBB2_5:
0xb1: {  	s26 =	sadd.s32 $0x2, s26;
	v20 =	vmul.f32 v5, v6  }
0xb2: {  	v16 =	vld [tilespmem:s13+$0x0];
	v18 =	vmul.f32 v2, v4;
	v13 =	vsub.f32 v13, v14;
	s6 =	smov.u32 s22;
	s22 =	smov.u32 s30;
	v0 =	vmul.f32 v5, v0;
	s8 =	sadd.s32 $0x20, s8  }
0xb3: {  	s13 =	sshrl.u32 s26, $0x6;
	v19 =	vld [tilespmem:s12+$0x0];
	v5 =	vmul.f32 v5, v12;
	v9 =	vadd.f32 v9, v15;
	s15 =	sand.u32 $0x380, s8;
	s30 =	sand.u32 $0x60, s8;
	v2 =	vmul.f32 v2, v12  }
0xb4: {  	p2 =	slt.u32 s26, $0xBE;
	s14 =	sshll.u32 s13, $0xC;
	v14 =	vld [tilespmem:s10+$0x0];
	v4 =	vmul.f32 v7, v4;
	v6 =	vmul.f32 v7, v6;
	s13 =	smul.u32 $0x3000, s13  }
0xb5: {  	v15 =	vmul.f32 $4.000000060e-01, v20;
	s17 =	sor.u32 $0x10, s30;
	v12 =	vmul.f32 $2.000000030e-01, v0;
	s14 =	sor.u32 s15, s14;
	v7 =	vld [tilespmem:s9+$0x0];
	[tilespmem:s23+$0xFC00] =	vst v9;
	v17 =	vmov v3  }
0xb6: {  	v9 =	vmul.f32 $5.000000000e-01, v18;
	s23 =	smov.u32 s12;
	v5 =	vmul.f32 $3.000000120e-01, v5;
	s16 =	sadd.s32 $0x3000, s14;
	v3 =	vld [tilespmem:s22+$0x0];
	[tilespmem:s19+$0xFC00] =	vst v8;
	s19 =	sadd.s32 $0x3400, s14  }
0xb7: {  	s12 =	sshra.s32 s13, $0x2;
	v8 =	vadd.f32 v15, v10;
	v10 =	vmul.f32 $1.100000020e+00, v4;
	s4 =	sor.u32 s17, s16;
	[tilespmem:s18+$0xFC00] =	vst v11;
	s18 =	sadd.s32 $0x3C00, s14  }
0xb8: {  	v2 =	vmul.f32 $8.999999760e-01, v2;
	s13 =	sor.u32 s15, s12;
	s15 =	sor.u32 s17, s19;
	v9 =	vadd.f32 v12, v9;
	v11 =	vmul.f32 $6.999999880e-01, v6;
	s12 =	sor.u32 s30, s16;
	v0 =	vld [tilespmem:s4+$0x0];
	[tilespmem:s6+$0xFC00] =	vst v13  }
0xb9: {  	s14 =	sadd.s32 $0x3800, s14;
	s6 =	sadd.s32 $0xB400, s13;
	s16 =	sor.u32 s17, s18;
	v13 =	vmul.f32 v1, v19;
	v5 =	vsub.f32 v10, v5;
	v4 =	vld [tilespmem:s15+$0x0];
	v12 =	vmul.f32 v17, v14;
	[tilespmem:s11+$0xFC00] =	vst v8  }
0xba: {  	s5 =	sor.u32 s30, s6;
	s11 =	sadd.s32 $0xB800, s13;
	s6 =	sor.u32 s17, s6;
	v10 =	vmul.f32 v16, v14;
	v6 =	vld [tilespmem:s16+$0x0];
	v8 =	vmul.f32 v1, v7;
	[tilespmem:s31+$0xFC00] =	vst v9;
	v9 =	vsub.f32 v11, v2  }
0xbb: {  	s3 =	sor.u32 s30, s19;
	s2 =	sor.u32 s30, s11;
	v2 =	vld [tilespmem:s6+$0x0];
	s6 =	sor.u32 s17, s11;
	v1 =	vmul.f32 v1, v3;
	v11 =	vmul.f32 v16, v3;
	[tilespmem:s0+$0xFC00] =	vst v5  }
.Ltmp5:
0xbc: {  	v15 =	vmul.f32 v17, v7;
	s11 =	sadd.s32 $0xBC00, s13;
	s0 =	sor.u32 s17, s14;
	v14 =	vmul.f32 $5.000000000e-01, v12;
	v5 =	vld [tilespmem:s6+$0x0];
	[tilespmem:s1+$0xFC00] =	vst v9;
	(pc) =	sbr.rel @p2 .LBB2_5-.Ltmp5, $4  }
0xbd: {  	s6 =	sor.u32 s30, s14;
	s13 =	sor.u32 s30, s11;
	s1 =	sor.u32 s17, s11;
	v12 =	vld [tilespmem:s0+$0x0];
	v9 =	vmul.f32 $4.000000060e-01, v1;
	v1 =	vmul.f32 $2.000000030e-01, v13  }
0xbe: {  	v18 =	vmul.f32 $1.100000020e+00, v10;
	s30 =	sor.u32 s30, s18;
	v16 =	vmul.f32 $3.000000120e-01, v8;
	s11 =	smov.u32 s4;
	v7 =	vld [tilespmem:s1+$0x0]  }
0xbf: {  	s19 =	smov.u32 s10;
	s31 =	smov.u32 s15;
	v13 =	vmul.f32 $6.999999880e-01, v11;
	s1 =	smov.u32 s16;
	v3 =	vld [tilespmem:s5+$0x0];
	v8 =	vadd.f32 v1, v14;
	v14 =	vmul.f32 $8.999999760e-01, v15  }
0xc0: {  	s10 =	smov.u32 s3;
	s18 =	smov.u32 s9;
	s9 =	smov.u32 s6;
	v11 =	vsub.f32 v18, v16;
	v15 =	vmul.f32 v17, v19;
	v1 =	vld [tilespmem:s2+$0x0];
	v10 =	vmul.f32 v2, v0  }
0xc1: {  	v17 =	vmul.f32 v5, v6;
	v18 =	vmul.f32 v2, v4;
	v19 =	vld [tilespmem:s12+$0x0]  }
0xc2: {  	v0 =	vmul.f32 v5, v0;
	v20 =	vld [tilespmem:s10+$0x0];
	v44 =	vmul.f32 v5, v12  }
0xc3: {  	v49 =	vld [tilespmem:s30+$0x0];
	v48 =	vmul.f32 v2, v12;
	v45 =	vmul.f32 v7, v4  }
0xc4: {  	v47 =	vld [tilespmem:s9+$0x0];
	v9 =	vadd.f32 v9, v15;
	v46 =	vmul.f32 v7, v6;
	v17 =	vmul.f32 $4.000000060e-01, v17  }
0xc5: {  	v18 =	vmul.f32 $5.000000000e-01, v18;
	v0 =	vmul.f32 $2.000000030e-01, v0  }
0xc6: {  	v5 =	vmul.f32 $3.000000120e-01, v44;
	[tilespmem:s23+$0xFC00] =	vst v9;
	v2 =	vmul.f32 $8.999999760e-01, v48  }
0xc7: {  	v16 =	vld [tilespmem:s13+$0x0];
	v13 =	vsub.f32 v13, v14;
	v4 =	vmul.f32 $1.100000020e+00, v45;
	v6 =	vmul.f32 $6.999999880e-01, v46;
	[tilespmem:s19+$0xFC00] =	vst v8  }
0xc8: {  	v10 =	vadd.f32 v17, v10;
	v50 =	vmul.f32 v3, v20;
	[tilespmem:s18+$0xFC00] =	vst v11;
	v54 =	vmul.f32 v1, v49  }
0xc9: {  	v0 =	vadd.f32 v0, v18;
	v51 =	vmul.f32 v1, v19;
	v52 =	vmul.f32 v1, v47;
	[tilespmem:s22+$0xFC00] =	vst v13  }
0xca: {  	v55 =	vmul.f32 v3, v19;
	[tilespmem:s11+$0xFC00] =	vst v10;
	v4 =	vsub.f32 v4, v5;
	v1 =	vmul.f32 $4.000000060e-01, v54  }
0xcb: {  	v56 =	vsub.f32 v6, v2;
	v9 =	vmul.f32 $5.000000000e-01, v50;
	[tilespmem:s31+$0xFC00] =	vst v0;
	v58 =	vmul.f32 $2.000000030e-01, v51  }
0xcc: {  	v53 =	vmul.f32 v16, v20;
	[tilespmem:s0+$0xFC00] =	vst v4;
	v1 =	vadd.f32 v1, v55  }
0xcd: {  	v12 =	vmul.f32 v16, v49;
	v57 =	vmul.f32 v3, v47;
	[tilespmem:s1+$0xFC00] =	vst v56;
	v61 =	vadd.f32 v58, v9  }
0xce: {  	v59 =	vmul.f32 $3.000000120e-01, v52;
	v60 =	vmul.f32 $1.100000020e+00, v53;
	[tilespmem:s12+$0xFC00] =	vst v1  }
0xcf: {  	v62 =	vmul.f32 $6.999999880e-01, v12;
	v2 =	vmul.f32 $8.999999760e-01, v57;
	[tilespmem:s10+$0xFC00] =	vst v61  }
0xd0: {  	v4 =	vsub.f32 v60, v59;
	s1 =	rddreg [dreg:$0xd]  }
0xd1: {  	s26 =	smul.u32 $0x600, s7;
	v63 =	vsub.f32 v62, v2;
	s1 =	sadd.s32 s1, s21  }
0xd2: {  	s2 =	rddreg [dreg:$0x2];
	s3 =	simm.s32 $0x12C00;
	[tilespmem:s9+$0xFC00] =	vst v4;
	p2 =	sgt.u32 s1, $0x823  }
0xd3: {  	s0 =	sadd.s32 s2, s26;
	[tilespmem:s30+$0xFC00] =	vst v63;
	s30 =	simm.s32 $0x0;
	s1 =	smul.u32 @!p2 $0x18, s1  }
0xd4: {  	[hbm4b:s0+s30] =	stream.linear.scatter [tilespmem:s3], [sflag:$0x8], $0x3000, $0x38;
	[tilespmem:$0x18C00] =	vst v63  }
0xd5: {  	s31 =	rddreg [dreg:$0xe];
	s0 =	smin.u32 @!p2 s1, $0xC338  }
0xd6: {  	s2 =	simm.s32 @!p2 $0x0;
	s1 =	sshll.u32 @!p2 s0, $0x6;
	s0 =	sshrl.u32 @!p2 s0, $0x3  }
0xd7: {  	s3 =	simm.s32 @!p2 $0x3000;
	s1 =	sadd.s32 @!p2 s24, s1;
	s0 =	smul.u32 @!p2 $0x180, s0  }
0xd8: {  	[tilespmem:s3], [sflag:$0x2] =	stream.linear.gather @!p2 [hbm4b:s1+s2], $0x3000, $0x38;
	[tilespmem:$0x18C00] =	vst v63  }
0xd9: {  	s22 =	sadd.s32 s31, s21;
	s1 =	simm.s32 @!p2 $0xB400;
	s0 =	sadd.s32 @!p2 s25, s0  }
0xda: {  	[tilespmem:s1], [sflag:$0x5] =	stream.linear.gather @!p2 [hbm4b:s0+s2], $0x2400, $0x38;
	[tilespmem:$0x18C00] =	vst v63  }
0xdb: {  	p2 =	sgt.u32 s22, $0x823  }
0xdc: {  	s0 =	simm.s32 @!p2 $0x3  }
0xdd: {  	_ =	swait.ge @!p2 [sflag:s0], $0x3000  }
0xde: {  	[sflag:s0] =	ssyncset.done @!p2 $0x0  }
0xdf: {  	[sflag:s0] =	ssyncadd.s32 @!p2 $0xFFFFD000;
	s0 =	simm.s32 @!p2 $0x6  }
0xe0: {  	_ =	swait.ge @!p2 [sflag:s0], $0x2400  }
.Ltmp6:
0xe1: {  	[sflag:s0] =	ssyncset.done @!p2 $0x0;
	(pc) =	sbr.rel @p2 .LBB2_10-.Ltmp6, $4  }
0xe2: {  	[sflag:s0] =	ssyncadd.s32 @!p2 $0xFFFFDC00;
	s0 =	simm.s32 @!p1 $0x9  }
0xe3: {  	_ =	swait.ge @!p1 [sflag:s0], $0x3000  }
0xe4: {  	[sflag:s0] =	ssyncset.done @!p1 $0x0  }
0xe5: {  	s4 =	smov.u32 s24;
	s5 =	smov.u32 s25;
	[sflag:s0] =	ssyncadd.s32 @!p1 $0xFFFFD000  }
0xe6: {  	s0 =	simm.s32 $0x0  }
0xe7: {  	s1 =	simm.s32 $0x0;
	s2 =	simm.s32 $0x0;
	s3 =	sand.u32 $0x380, s0  }
0xe8: {  	s0 =	sand.u32 $0x60, s0;
	s1 =	smul.u32 $0x3000, s1;
	s2 =	sor.u32 s3, s2  }
0xe9: {  	s5 =	sor.u32 $0x10, s0;
	s4 =	sadd.s32 $0x6000, s2  }
0xea: {  	s6 =	sadd.s32 $0x6400, s2;
	s1 =	sshra.s32 s1, $0x2;
	s12 =	sor.u32 s5, s4  }
0xeb: {  	s8 =	sadd.s32 $0x6C00, s2;
	s3 =	sor.u32 s3, s1;
	s1 =	sor.u32 s5, s6;
	v0 =	vld [tilespmem:s12+$0x0]  }
0xec: {  	s2 =	sadd.s32 $0x6800, s2;
	s11 =	sor.u32 s5, s8;
	v1 =	vld [tilespmem:s1+$0x0]  }
0xed: {  	s30 =	sor.u32 s5, s2;
	v2 =	vld [tilespmem:s11+$0x0]  }
0xee: {  	s31 =	sor.u32 s0, s6;
	s7 =	sadd.s32 $0xD800, s3;
	v5 =	vld [tilespmem:s30+$0x0]  }
0xef: {  	s9 =	sadd.s32 $0xDC00, s3;
	v13 =	vld [tilespmem:s31+$0x0];
	s10 =	sor.u32 s5, s7  }
0xf0: {  	s3 =	sadd.s32 $0xE000, s3;
	s26 =	sor.u32 s5, s9;
	v3 =	vld [tilespmem:s10+$0x0]  }
0xf1: {  	s5 =	sor.u32 s5, s3;
	v4 =	vld [tilespmem:s26+$0x0]  }
0xf2: {  	s7 =	sor.u32 s0, s7;
	v6 =	vld [tilespmem:s5+$0x0]  }
0xf3: {  	s3 =	sor.u32 s0, s3;
	v11 =	vld [tilespmem:s7+$0x0]  }
0xf4: {  	s10 =	sor.u32 s0, s9;
	v9 =	vld [tilespmem:s3+$0x0]  }
0xf5: {  	s7 =	sor.u32 s0, s4;
	v7 =	vld [tilespmem:s10+$0x0]  }
0xf6: {  	v15 =	vld [tilespmem:s7+$0x0];
	v8 =	vmul.f32 v3, v0  }
0xf7: {  	v10 =	vmul.f32 v4, v2;
	v12 =	vmul.f32 v3, v1  }
0xf8: {  	s13 =	simm.s32 $0x0;
	s23 =	sor.u32 s0, s8;
	s8 =	simm.s32 $0x20;
	v0 =	vmul.f32 v4, v0;
	v4 =	vmul.f32 v4, v5  }
0xf9: {  	s14 =	simm.s32 $0x0;
	s19 =	sor.u32 s0, s2;
	s15 =	sand.u32 $0x380, s8;
	v1 =	vmul.f32 v6, v1;
	v2 =	vmul.f32 v6, v2  }
0xfa: {  	s6 =	sand.u32 $0x60, s8;
	s2 =	sor.u32 s15, s14;
	s0 =	smul.u32 $0x3000, s13;
	v6 =	vld [tilespmem:s19+$0x0];
	v3 =	vmul.f32 v3, v5;
	v19 =	vmul.f32 v11, v13  }
0xfb: {  	s4 =	sadd.s32 $0x6000, s2;
	s5 =	sor.u32 $0x10, s6;
	v5 =	vld [tilespmem:s23+$0x0];
	v13 =	vmul.f32 v9, v13;
	v20 =	vmul.f32 v7, v15  }
0xfc: {  	s13 =	sadd.s32 $0x6400, s2;
	s16 =	sshra.s32 s0, $0x2;
	s0 =	sor.u32 s5, s4;
	v10 =	vmul.f32 $4.000000060e-01, v10;
	v12 =	vmul.f32 $5.000000000e-01, v12  }
0xfd: {  	s14 =	sadd.s32 $0x6C00, s2;
	s18 =	sor.u32 s5, s13;
	s3 =	sor.u32 s15, s16;
	v14 =	vmul.f32 $2.000000030e-01, v0;
	v4 =	vmul.f32 $3.000000120e-01, v4;
	v0 =	vld [tilespmem:s0+$0x0]  }
0xfe: {  	s9 =	sor.u32 s5, s14;
	s15 =	sadd.s32 $0xD800, s3;
	v16 =	vmul.f32 $1.100000020e+00, v1;
	v17 =	vmul.f32 $6.999999880e-01, v2;
	v1 =	vld [tilespmem:s18+$0x0]  }
0xff: {  	s16 =	sadd.s32 $0xDC00, s3;
	s17 =	sor.u32 s5, s15;
	v18 =	vmul.f32 $8.999999760e-01, v3;
	v2 =	vld [tilespmem:s9+$0x0];
	v21 =	vmul.f32 v7, v6  }
0x100: {  	s2 =	sadd.s32 $0x6800, s2;
	s26 =	sor.u32 s5, s16;
	v3 =	vld [tilespmem:s17+$0x0];
	v8 =	vadd.f32 v10, v8;
	v10 =	vmul.f32 v7, v5;
	v22 =	vmul.f32 v9, v5  }
0x101: {  	s10 =	sor.u32 s5, s2;
	s3 =	sadd.s32 $0xE000, s3;
	v5 =	vadd.f32 v14, v12;
	v7 =	vld [tilespmem:s26+$0x0];
	v14 =	vmul.f32 $5.000000000e-01, v19;
	v63 =	vmul.f32 v11, v6  }
0x102: {  	s5 =	sor.u32 s5, s3;
	v4 =	vsub.f32 v16, v4;
	v6 =	vld [tilespmem:s10+$0x0];
	[tilespmem:s12+$0xFC00] =	vst v8;
	v8 =	vmul.f32 $2.000000030e-01, v20;
	v9 =	vmul.f32 $4.000000060e-01, v10  }
0x103: {  	s15 =	sor.u32 s6, s15;
	s17 =	sor.u32 s6, s16;
	v12 =	vld [tilespmem:s5+$0x0];
	[tilespmem:s1+$0xFC00] =	vst v5;
	v10 =	vsub.f32 v17, v18;
	v16 =	vmul.f32 $3.000000120e-01, v21;
	v17 =	vmul.f32 $1.100000020e+00, v13  }
0x104: {  	v15 =	vmul.f32 v11, v15;
	s26 =	simm.s32 $0x2;
	s12 =	sor.u32 s6, s13;
	s13 =	sor.u32 s6, s3;
	v5 =	vld [tilespmem:s15+$0x0];
	v13 =	vmul.f32 $6.999999880e-01, v22;
	[tilespmem:s30+$0xFC00] =	vst v4;
	v8 =	vadd.f32 v8, v14  }
0x105: {  	s1 =	sor.u32 s6, s4;
	v14 =	vmul.f32 $8.999999760e-01, v63;
	s30 =	sor.u32 s6, s14;
	v4 =	vld [tilespmem:s17+$0x0];
	[tilespmem:s11+$0xFC00] =	vst v10;
	s11 =	sor.u32 s6, s2;
	v10 =	vmul.f32 v3, v0;
	v11 =	vsub.f32 v17, v16  }
.LBB2_8:
0x106: {  	s26 =	sadd.s32 $0x2, s26;
	v20 =	vmul.f32 v7, v2;
	v18 =	vmul.f32 v3, v1  }
0x107: {  	v16 =	vld [tilespmem:s13+$0x0];
	v13 =	vsub.f32 v13, v14;
	s2 =	smov.u32 s23;
	s23 =	smov.u32 s30;
	v0 =	vmul.f32 v7, v0;
	s8 =	sadd.s32 $0x20, s8;
	v7 =	vmul.f32 v7, v6  }
0x108: {  	s3 =	sshrl.u32 s26, $0x6;
	v19 =	vld [tilespmem:s1+$0x0];
	v9 =	vadd.f32 v9, v15;
	s5 =	sand.u32 $0x380, s8;
	v3 =	vmul.f32 v3, v6;
	v1 =	vmul.f32 v12, v1  }
0x109: {  	s30 =	sand.u32 $0x60, s8;
	p1 =	slt.u32 s26, $0xBE;
	s4 =	sshll.u32 s3, $0xC;
	v14 =	vld [tilespmem:s12+$0x0];
	v2 =	vmul.f32 v12, v2;
	v15 =	vmul.f32 $4.000000060e-01, v20  }
0x10a: {  	s3 =	smul.u32 $0x3000, s3;
	s14 =	sor.u32 $0x10, s30;
	s4 =	sor.u32 s5, s4;
	v12 =	vld [tilespmem:s11+$0x0];
	[tilespmem:s7+$0xFC00] =	vst v9;
	v17 =	vmov v5;
	v9 =	vmul.f32 $2.000000030e-01, v0;
	v7 =	vmul.f32 $3.000000120e-01, v7  }
0x10b: {  	v6 =	vmul.f32 $5.000000000e-01, v18;
	s7 =	smov.u32 s1;
	v3 =	vmul.f32 $8.999999760e-01, v3;
	s6 =	sadd.s32 $0x6000, s4;
	v5 =	vld [tilespmem:s23+$0x0];
	[tilespmem:s31+$0xFC00] =	vst v8;
	s13 =	sadd.s32 $0x6400, s4  }
0x10c: {  	s1 =	sshra.s32 s3, $0x2;
	v8 =	vadd.f32 v15, v10;
	v10 =	vmul.f32 $1.100000020e+00, v1;
	s15 =	sadd.s32 $0x6C00, s4;
	s3 =	sor.u32 s14, s6;
	[tilespmem:s19+$0xFC00] =	vst v11  }
0x10d: {  	s4 =	sadd.s32 $0x6800, s4;
	s5 =	sor.u32 s5, s1;
	s16 =	sor.u32 s14, s13;
	v6 =	vadd.f32 v9, v6;
	v9 =	vmul.f32 $6.999999880e-01, v2;
	v0 =	vld [tilespmem:s3+$0x0];
	[tilespmem:s2+$0xFC00] =	vst v13  }
0x10e: {  	s1 =	sor.u32 s30, s6;
	s6 =	sor.u32 s14, s15;
	s2 =	sadd.s32 $0xD800, s5;
	v13 =	vmul.f32 v4, v19;
	v7 =	vsub.f32 v10, v7;
	v1 =	vld [tilespmem:s16+$0x0];
	v11 =	vmul.f32 v17, v14;
	[tilespmem:s0+$0xFC00] =	vst v8  }
0x10f: {  	s17 =	sor.u32 s30, s2;
	s0 =	sadd.s32 $0xDC00, s5;
	s2 =	sor.u32 s14, s2;
	v10 =	vmul.f32 v16, v14;
	v2 =	vld [tilespmem:s6+$0x0];
	v8 =	vmul.f32 v4, v12;
	[tilespmem:s18+$0xFC00] =	vst v6;
	v6 =	vsub.f32 v9, v3  }
0x110: {  	s5 =	sadd.s32 $0xE000, s5;
	s19 =	sor.u32 s30, s0;
	s0 =	sor.u32 s14, s0;
	v3 =	vld [tilespmem:s2+$0x0];
	v4 =	vmul.f32 v4, v5;
	v14 =	vmul.f32 v16, v5;
	[tilespmem:s10+$0xFC00] =	vst v7  }
.Ltmp7:
0x111: {  	v15 =	vmul.f32 v17, v12;
	s2 =	sor.u32 s30, s13;
	s10 =	sor.u32 s14, s4;
	v11 =	vmul.f32 $5.000000000e-01, v11;
	v7 =	vld [tilespmem:s0+$0x0];
	[tilespmem:s9+$0xFC00] =	vst v6;
	(pc) =	sbr.rel @p1 .LBB2_8-.Ltmp7, $4  }
0x112: {  	s4 =	sor.u32 s30, s4;
	s13 =	sor.u32 s30, s5;
	s0 =	sor.u32 s14, s5;
	v6 =	vld [tilespmem:s10+$0x0];
	v9 =	vmul.f32 $4.000000060e-01, v4;
	v4 =	vmul.f32 $2.000000030e-01, v13  }
0x113: {  	s30 =	sor.u32 s30, s15;
	v18 =	vmul.f32 $1.100000020e+00, v10;
	v16 =	vmul.f32 $3.000000120e-01, v8;
	v12 =	vld [tilespmem:s0+$0x0];
	s0 =	smov.u32 s3  }
0x114: {  	s31 =	smov.u32 s12;
	s18 =	smov.u32 s16;
	s9 =	smov.u32 s6;
	v13 =	vmul.f32 $6.999999880e-01, v14;
	v14 =	vmul.f32 $8.999999760e-01, v15;
	v5 =	vld [tilespmem:s17+$0x0];
	v8 =	vadd.f32 v4, v11  }
0x115: {  	s12 =	smov.u32 s2;
	v15 =	vmul.f32 v17, v19;
	v11 =	vsub.f32 v18, v16;
	v4 =	vld [tilespmem:s19+$0x0];
	v10 =	vmul.f32 v3, v0;
	s19 =	smov.u32 s11;
	s11 =	smov.u32 s4  }
0x116: {  	v16 =	vld [tilespmem:s13+$0x0];
	v17 =	vmul.f32 v7, v2  }
0x117: {  	v18 =	vmul.f32 v3, v1;
	v19 =	vld [tilespmem:s1+$0x0];
	v0 =	vmul.f32 v7, v0  }
0x118: {  	v20 =	vld [tilespmem:s12+$0x0];
	v45 =	vmul.f32 v7, v6;
	v49 =	vmul.f32 v3, v6  }
0x119: {  	v48 =	vld [tilespmem:s11+$0x0];
	v46 =	vmul.f32 v12, v1;
	v47 =	vmul.f32 v12, v2  }
0x11a: {  	v50 =	vld [tilespmem:s30+$0x0];
	v17 =	vmul.f32 $4.000000060e-01, v17;
	v18 =	vmul.f32 $5.000000000e-01, v18  }
0x11b: {  	v0 =	vmul.f32 $2.000000030e-01, v0;
	v7 =	vmul.f32 $3.000000120e-01, v45  }
0x11c: {  	v9 =	vadd.f32 v9, v15;
	v3 =	vmul.f32 $8.999999760e-01, v49;
	v1 =	vmul.f32 $1.100000020e+00, v46  }
0x11d: {  	v2 =	vmul.f32 $6.999999880e-01, v47;
	v51 =	vmul.f32 v5, v20  }
0x11e: {  	v13 =	vsub.f32 v13, v14;
	[tilespmem:s7+$0xFC00] =	vst v9;
	v52 =	vmul.f32 v4, v19;
	v53 =	vmul.f32 v4, v48  }
0x11f: {  	[tilespmem:s31+$0xFC00] =	vst v8;
	v10 =	vadd.f32 v17, v10;
	v54 =	vmul.f32 v16, v20;
	v55 =	vmul.f32 v4, v50  }
0x120: {  	v0 =	vadd.f32 v0, v18;
	[tilespmem:s19+$0xFC00] =	vst v11;
	v6 =	vmul.f32 v16, v50;
	v56 =	vmul.f32 v5, v19  }
0x121: {  	v58 =	vmul.f32 v5, v48;
	[tilespmem:s23+$0xFC00] =	vst v13;
	v1 =	vsub.f32 v1, v7;
	v4 =	vmul.f32 $4.000000060e-01, v55  }
0x122: {  	[tilespmem:s0+$0xFC00] =	vst v10;
	v57 =	vsub.f32 v2, v3;
	v9 =	vmul.f32 $5.000000000e-01, v51;
	v59 =	vmul.f32 $2.000000030e-01, v52  }
0x123: {  	[tilespmem:s18+$0xFC00] =	vst v0;
	v60 =	vmul.f32 $3.000000120e-01, v53;
	v61 =	vmul.f32 $1.100000020e+00, v54;
	v4 =	vadd.f32 v4, v56  }
0x124: {  	v63 =	vmul.f32 $6.999999880e-01, v6;
	v2 =	vmul.f32 $8.999999760e-01, v58;
	[tilespmem:s10+$0xFC00] =	vst v1;
	v62 =	vadd.f32 v59, v9  }
0x125: {  	s26 =	smul.u32 $0x18, s22;
	v1 =	vsub.f32 v61, v60;
	[tilespmem:s1+$0xFC00] =	vst v4  }
.Ltmp8:
0x126: {  	v2 =	vsub.f32 v63, v2;
	[tilespmem:s12+$0xFC00] =	vst v62;
	(pc) =	sbr.rel .LBB2_10-.Ltmp8, $4  }
0x127: {  	s2 =	simm.s32 $0x15C00;
	s0 =	smin.u32 s26, $0xC338;
	[tilespmem:s11+$0xFC00] =	vst v1  }
0x128: {  	s4 =	smov.u32 s24;
	s0 =	sshll.u32 s0, $0x6;
	[tilespmem:s30+$0xFC00] =	vst v2;
	s30 =	rddreg [dreg:$0x2]  }
0x129: {  	s5 =	smov.u32 s25;
	s31 =	simm.s32 $0x0;
	[tilespmem:s9+$0xFC00] =	vst v57;
	s0 =	sadd.s32 s30, s0  }
0x12a: {  	[hbm4b:s0+s31] =	stream.linear.scatter [tilespmem:s2], [sflag:$0x9], $0x3000, $0x38;
	[tilespmem:$0x18C00] =	vst v63  }
.LBB2_12:
0x12b: {  	_ =	sfence.sel $0x180000  }
0x12c: {  	[bflag:$0x0] =	sbarrier.arrive $0xFFFF  }
0x12d: {  	_ =	strace $0x90000047  }
0x12e: {  	s0 =	stileid.u32;
	[bflag:$0x2] =	sbarrier.arrive $0xFFFF  }
0x12f: {  	p0 =	sne.s32 s0, $0x0;
	s0 =	rddreg [dreg:$0x3]  }
0x130: {  	s0 =	sadd.s32 @!p0 $0x100000, s0  }
0x131: {  	[sflag:s0] =	ssyncadd.tile.s32 @!p0 $0x1;
	_ =	shalt  }
.Lfunc_end2:
_tile_overlayer_lowered:
.L_overlay_start_2:
0x132: {  	(tag) =	ssettag $0x2  }
0x133: {  	s0 =	rddreg [dreg:$0x0];
	s2 =	stileid.u32  }
0x134: {  	s1 =	rddreg [dreg:$0x1];
	p0 =	sne.s32 s2, $0x0  }
0x135: {  	s3 =	rddreg [dreg:$0x2];
	[bflag:$0x3] =	sbarrier.arrive $0xFFFF;
	s2 =	simm.s32 @!p0 $0x1C0A  }
0x136: {  	[timem:s3], [sflag:s2] =	dma.local @!p0 [hbm:s0], s1  }
0x137: {  	s0 =	simm.s32 @!p0 $0xA  }
0x138: {  	_ =	swait.ge @!p0 [sflag:s0], s1  }
0x139: {  	s1 =	ssub.s32 @!p0 $0x0, s1;
	[sflag:s0] =	ssyncset.done @!p0 $0x0  }
0x13a: {  	[sflag:s0] =	ssyncadd.s32 @!p0 s1  }
0x13b: {  	[bflag:$0x3] =	sbarrier.arrive $0xFFFF  }
0x13c: {  	_ =	shalt  }

</sc_bundles>
